<compile_context>
chip_gen: v7x
topology: tpu7x:2x2x1
jax: 0.10.2.dev20260603
libtpu: 0.0.44.dev20260713+nightly
codegen_flags: <defaults>
</compile_context>

<pallas_src>
import functools

import jax
import jax.numpy as jnp
from jax import lax
from jax.experimental import pallas as pl
from jax.experimental.pallas import tpu as pltpu, tpu_sc as plsc

N = 10000
E = 320000
D = 128
KAPPA = 0.95

NC = 2
NS = 16
NW = NC * NS
CHUNK = 128
CHUNKS = 80
E_PAD = NW * CHUNKS * CHUNK
N_PAD = 10240
ROWS_PER_TILE = N_PAD // NS

_mesh = plsc.VectorSubcoreMesh(core_axis_name="c", subcore_axis_name="s")


@functools.partial(
    pl.kernel,
    out_type=jax.ShapeDtypeStruct((NC, N_PAD), jnp.float32),
    mesh=_mesh,
    scratch_types=[
        pltpu.VMEM((CHUNKS, CHUNK), jnp.int32),
        pltpu.VMEM((CHUNK,), jnp.float32),
        pltpu.VMEM((ROWS_PER_TILE,), jnp.float32),
        pltpu.VMEM_SHARED((N_PAD,), jnp.float32),
        pltpu.SemaphoreType.DMA,
    ],
)
def _deg_kernel(dst_hbm, deg_out, idx_v, ones_v, stage_v, deg_sh, sem):
    cid = lax.axis_index("c")
    sid = lax.axis_index("s")
    wid = sid * NC + cid
    r0 = sid * ROWS_PER_TILE

    for k in range(CHUNK // 16):
        ones_v[pl.ds(k * 16, 16)] = jnp.ones((16,), jnp.float32)
    for k in range(ROWS_PER_TILE // 16):
        stage_v[pl.ds(k * 16, 16)] = jnp.zeros((16,), jnp.float32)
    pltpu.sync_copy(stage_v, deg_sh.at[pl.ds(r0, ROWS_PER_TILE)])
    pltpu.sync_copy(dst_hbm.at[wid], idx_v)
    plsc.subcore_barrier()

    def body(j, carry):
        pltpu.async_copy(ones_v, deg_sh.at[idx_v.at[j]], sem, add=True)
        return carry

    lax.fori_loop(0, CHUNKS, body, 0)

    def drain(j, carry):
        pltpu.make_async_copy(ones_v, deg_sh.at[idx_v.at[j]], sem).wait()
        return carry

    lax.fori_loop(0, CHUNKS, drain, 0)
    plsc.subcore_barrier()
    pltpu.sync_copy(deg_sh.at[pl.ds(r0, ROWS_PER_TILE)],
                    deg_out.at[cid, pl.ds(r0, ROWS_PER_TILE)])


@functools.partial(
    pl.kernel,
    out_type=jax.ShapeDtypeStruct((NC, N_PAD, D), jnp.float32),
    mesh=_mesh,
    scratch_types=[
        pltpu.VMEM((CHUNKS // 2, CHUNK), jnp.int32),
        pltpu.VMEM((CHUNKS // 2, CHUNK), jnp.int32),
        pltpu.VMEM((CHUNK, D), jnp.float32),
        pltpu.VMEM((CHUNK, D), jnp.float32),
        pltpu.VMEM_SHARED((N_PAD, D), jnp.float32),
        pltpu.SemaphoreType.DMA,
        pltpu.SemaphoreType.DMA,
        pltpu.SemaphoreType.DMA,
    ],
)
def _scatter_kernel(src_hbm, dst_hbm, y_hbm, acc_out,
                    src_v, dst_v, buf_a, buf_b, acc_sh, sem_a, sem_b, sem_i):
    cid = lax.axis_index("c")
    sid = lax.axis_index("s")
    wid = sid * NC + cid
    r0 = sid * ROWS_PER_TILE
    half = CHUNKS // 2

    init = pltpu.async_copy(y_hbm.at[pl.ds(r0, ROWS_PER_TILE)],
                            acc_sh.at[pl.ds(r0, ROWS_PER_TILE)], sem_i)
    pltpu.sync_copy(src_hbm.at[wid, pl.ds(0, half)], src_v)
    pltpu.sync_copy(dst_hbm.at[wid, pl.ds(0, half)], dst_v)
    pltpu.async_copy(y_hbm.at[src_v.at[0]], buf_a, sem_a)
    init.wait()
    plsc.subcore_barrier()

    for phase in range(2):
        if phase:
            pltpu.sync_copy(src_hbm.at[wid, pl.ds(half, half)], src_v)
            pltpu.sync_copy(dst_hbm.at[wid, pl.ds(half, half)], dst_v)
            pltpu.async_copy(y_hbm.at[src_v.at[0]], buf_a, sem_a)

        def body(g, carry):
            j = 2 * g
            pltpu.async_copy(y_hbm.at[src_v.at[j + 1]], buf_b, sem_b)
            pltpu.make_async_copy(y_hbm.at[src_v.at[j]], buf_a, sem_a).wait()
            pltpu.sync_copy(buf_a, acc_sh.at[dst_v.at[j]], add=True)

            @pl.when(g < half // 2 - 1)
            def _():
                pltpu.async_copy(y_hbm.at[src_v.at[j + 2]], buf_a, sem_a)

            pltpu.make_async_copy(y_hbm.at[src_v.at[j + 1]], buf_b,
                                  sem_b).wait()
            pltpu.sync_copy(buf_b, acc_sh.at[dst_v.at[j + 1]], add=True)
            return carry

        lax.fori_loop(0, half // 2, body, 0)
    plsc.subcore_barrier()
    pltpu.sync_copy(acc_sh.at[pl.ds(r0, ROWS_PER_TILE)],
                    acc_out.at[cid, pl.ds(r0, ROWS_PER_TILE)])


def _dense_a_body(wc_ref, emb_ref, feat_ref, wmlp_ref, xw_ref, z_ref):
    A = wc_ref[...]
    absA = jnp.abs(A)
    row_sum = jnp.sum(absA, axis=1, keepdims=True)
    hi0 = jnp.max(absA, axis=1, keepdims=True)

    def body(i, carry):
        lo, hi = carry
        th = (lo + hi) * 0.5
        s = jnp.sum(jnp.maximum(absA - th, 0.0), axis=1, keepdims=True)
        pred = s > KAPPA
        return jnp.where(pred, th, lo), jnp.where(pred, hi, th)

    lo, hi = lax.fori_loop(0, 40, body, (jnp.zeros_like(hi0), hi0))
    th = (lo + hi) * 0.5
    proj = jnp.sign(A) * jnp.maximum(absA - th, 0.0)
    Wc = jnp.where(row_sum > KAPPA, proj, A)

    xw_ref[...] = jnp.dot(emb_ref[...], Wc.T, preferred_element_type=jnp.float32)
    z_ref[...] = jnp.dot(feat_ref[...], wmlp_ref[...].T,
                         preferred_element_type=jnp.float32)


_dense_a = pl.pallas_call(
    _dense_a_body,
    out_shape=(
        jax.ShapeDtypeStruct((N, D), jnp.float32),
        jax.ShapeDtypeStruct((N, D), jnp.float32),
    ),
)


def _dense_b_body(xw_ref, deg_ref, y_ref, dinv_ref):
    deg = deg_ref[0, :] + deg_ref[1, :] + 1.0
    dinv = lax.rsqrt(deg).reshape(N_PAD, 1)
    dinv_ref[...] = dinv
    y_ref[pl.ds(0, N), :] = xw_ref[...] * dinv[:N]
    y_ref[pl.ds(N, N_PAD - N), :] = jnp.zeros((N_PAD - N, D), jnp.float32)


_dense_b = pl.pallas_call(
    _dense_b_body,
    out_shape=(
        jax.ShapeDtypeStruct((N_PAD, D), jnp.float32),
        jax.ShapeDtypeStruct((N_PAD, 1), jnp.float32),
    ),
)


def _final_body(acc_ref, y_ref, dinv_ref, z_ref, o_ref):
    a = acc_ref[0] + acc_ref[1] - y_ref[...]
    o_ref[...] = jnp.maximum(a * dinv_ref[...] + z_ref[...], 0.0)


_FB = 2000

_final = pl.pallas_call(
    _final_body,
    grid=(N // _FB,),
    in_specs=[
        pl.BlockSpec((NC, _FB, D), lambda i: (0, i, 0)),
        pl.BlockSpec((_FB, D), lambda i: (i, 0)),
        pl.BlockSpec((_FB, 1), lambda i: (i, 0)),
        pl.BlockSpec((_FB, D), lambda i: (i, 0)),
    ],
    out_specs=pl.BlockSpec((_FB, D), lambda i: (i, 0)),
    out_shape=jax.ShapeDtypeStruct((N, D), jnp.float32),
)


def kernel(features, sparse_adj, embeddings, W_conv, W_mlp):
    src = sparse_adj[0]
    dst = sparse_adj[1]
    pad = N + (jnp.arange(E_PAD - E, dtype=jnp.int32) & 127)
    src_p = jnp.concatenate([src, pad]).reshape(NW, CHUNKS, CHUNK)
    dst_p = jnp.concatenate([dst, pad]).reshape(NW, CHUNKS, CHUNK)

    deg_parts = _deg_kernel(dst_p)
    xw, z = _dense_a(W_conv, embeddings, features, W_mlp)
    y, dinv = _dense_b(xw, deg_parts)
    acc = _scatter_kernel(src_p, dst_p, y)
    return _final(acc, y, dinv, z)

# --- scband reference (transcript-rebuilt; emitter-appended) ---
"""Pipeline reference for scband-soft-ignn-31044023616078 (READ-ONLY COPY).

The authoritative reference and input builder live on the scoring server;
editing this copy changes nothing except your own understanding.
"""

import jax, jax.numpy as jnp
import numpy as np

N = 10000
E = 320000
D_IN = 128
D_OUT = 128
KAPPA = 0.95


def projection_norm_inf(A, kappa):
    # Project each row of A onto the L1 ball of radius kappa (rows whose
    # L1 norm exceeds kappa), so that ||A||_inf <= kappa. Matches IGNN's
    # projection_norm_inf.
    d = A.shape[1]
    absA = jnp.abs(A)
    row_sum = absA.sum(axis=1)
    u = -jnp.sort(-absA, axis=1)  # descending sort of |row|
    css = jnp.cumsum(u, axis=1)
    ks = jnp.arange(1, d + 1, dtype=A.dtype)
    cond = u * ks > (css - kappa)
    rho = jnp.maximum(jnp.sum(cond, axis=1), 1)
    theta = (jnp.take_along_axis(css, (rho - 1)[:, None], axis=1)[:, 0] - kappa) / rho.astype(A.dtype)
    theta = jnp.maximum(theta, 0.0)
    proj = jnp.sign(A) * jnp.maximum(absA - theta[:, None], 0.0)
    return jnp.where((row_sum > kappa)[:, None], proj, A)


def xavier_uniform(key, shape):
    limit = float(np.sqrt(6.0 / (shape[0] + shape[1])))
    return jax.random.uniform(key, shape, dtype=jnp.float32, minval=-limit, maxval=limit)


def setup_inputs(seed: int = 0) -> dict:
    key = jax.random.key(seed)
    k1, k2, k3, k4, k5 = jax.random.split(key, 5)
    features = jax.random.normal(k1, (N, D_IN), dtype=jnp.float32)
    edge_index = jax.random.randint(k2, (2, E), 0, N, dtype=jnp.int32)
    # learned parameters
    embeddings = 0.01 * jax.random.uniform(k3, (N, D_OUT), dtype=jnp.float32)  # self.embeddings
    W_conv = xavier_uniform(k4, (D_OUT, D_OUT))  # GCNConv lin weight (out, in)
    W_mlp = xavier_uniform(k5, (D_OUT, D_IN))    # nn.Linear(in_channels, out_channels, bias=False)
    return {"features": features, "sparse_adj": edge_index,
            "embeddings": embeddings, "W_conv": W_conv, "W_mlp": W_mlp}


def _gcn_conv(x, src, dst, W, n):
    # PyG GCNConv(normalize=True, bias=False): x' = lin(x), then
    # D^{-1/2}(A+I)D^{-1/2} aggregation (self loops added).
    xw = x @ W.T
    deg = jax.ops.segment_sum(jnp.ones_like(dst, dtype=xw.dtype), dst, num_segments=n)
    dinv = jnp.where(deg > 0, deg ** -0.5, 0.0)
    norm = dinv[src] * dinv[dst]
    msg = xw[src] * norm[:, None]
    return jax.ops.segment_sum(msg, dst, num_segments=n)


def reference(features, sparse_adj, embeddings, W_conv, W_mlp):
    # SoftIGNN.forward: project conv weight, then baseIGNN (1 layer)
    Wc = projection_norm_inf(W_conv, KAPPA)
    self_loops = jnp.arange(N, dtype=sparse_adj.dtype)
    src = jnp.concatenate([sparse_adj[0], self_loops])
    dst = jnp.concatenate([sparse_adj[1], self_loops])
    x = embeddings
    x = _gcn_conv(x, src, dst, Wc, N)
    x = x + features @ W_mlp.T
    x = jax.nn.relu(x)
    return x

if __name__ == "__main__":
    import jax
    _d = setup_inputs()
    print(jax.jit(kernel)(*tuple(_d.values())))

</pallas_src>

<mosaic_0001>
#map = affine_map<(d0, d1) -> (0, 0, 0)>
#map1 = affine_map<(d0, d1) -> (0, 0)>
module attributes {stable_mosaic.version = 14 : i64} {
  func.func @_deg_kernel(%arg0: i32, %arg1: i32, %arg2: memref<32x80x128xi32, #tpu.memory_space<hbm>>, %arg3: memref<2x10240xf32, #tpu.memory_space<hbm>>, %arg4: memref<80x128xi32, #tpu.memory_space<vmem>>, %arg5: memref<128xf32, #tpu.memory_space<vmem>>, %arg6: memref<640xf32, #tpu.memory_space<vmem>>, %arg7: memref<10240xf32, #tpu.memory_space<vmem_shared>>, %arg8: memref<!tpu.dma_semaphore, #tpu.memory_space<semaphore_mem>>) attributes {dimension_semantics = [#tpu.dimension_semantics<core_parallel>, #tpu.dimension_semantics<subcore_parallel>], iteration_bounds = array<i64: 2, 16>, scalar_prefetch = 0 : i64, scratch_operands = 5 : i64, tpu.core_type = #tpu.core_type<sc_vector_subcore>, window_params = [{transform_indices = #map}, {transform_indices = #map1}]} {
    %mul3A = arith.constant 2 : i32
    %mul3A_0 = arith.muli %arg1, %mul3A : i32
    %add3A = arith.addi %mul3A_0, %arg0 : i32
    %mul3A_1 = arith.constant 640 : i32
    %mul3A_2 = arith.muli %arg1, %mul3A_1 : i32
    %broadcast_in_dim3A = arith.constant 1.000000e+00 : f32
    %broadcast_in_dim3A_3 = vector.broadcast %broadcast_in_dim3A : f32 to vector<16xf32>
    %swap3A = arith.constant 0 : index
    %swap3A_4 = tpu.vector_load %arg5[%swap3A] {strides = array<i32>} : memref<128xf32, #tpu.memory_space<vmem>>, vector<16xf32>,
    %swap3A_5 = vector.shape_cast %swap3A_4 : vector<16xf32> to vector<16xf32>
    %swap3A_6 = vector.shape_cast %broadcast_in_dim3A_3 : vector<16xf32> to vector<16xf32>
    tpu.vector_store %arg5[%swap3A], %swap3A_6 {strides = array<i32>} : memref<128xf32, #tpu.memory_space<vmem>>, vector<16xf32>,
    %broadcast_in_dim3A_7 = arith.constant 1.000000e+00 : f32
    %broadcast_in_dim3A_8 = vector.broadcast %broadcast_in_dim3A_7 : f32 to vector<16xf32>
    %swap3A_9 = arith.constant 16 : index
    %swap3A_10 = tpu.vector_load %arg5[%swap3A_9] {strides = array<i32>} : memref<128xf32, #tpu.memory_space<vmem>>, vector<16xf32>,
    %swap3A_11 = vector.shape_cast %swap3A_10 : vector<16xf32> to vector<16xf32>
    %swap3A_12 = vector.shape_cast %broadcast_in_dim3A_8 : vector<16xf32> to vector<16xf32>
    tpu.vector_store %arg5[%swap3A_9], %swap3A_12 {strides = array<i32>} : memref<128xf32, #tpu.memory_space<vmem>>, vector<16xf32>,
    %broadcast_in_dim3A_13 = arith.constant 1.000000e+00 : f32
    %broadcast_in_dim3A_14 = vector.broadcast %broadcast_in_dim3A_13 : f32 to vector<16xf32>
    %swap3A_15 = arith.constant 32 : index
    %swap3A_16 = tpu.vector_load %arg5[%swap3A_15] {strides = array<i32>} : memref<128xf32, #tpu.memory_space<vmem>>, vector<16xf32>,
    %swap3A_17 = vector.shape_cast %swap3A_16 : vector<16xf32> to vector<16xf32>
    %swap3A_18 = vector.shape_cast %broadcast_in_dim3A_14 : vector<16xf32> to vector<16xf32>
    tpu.vector_store %arg5[%swap3A_15], %swap3A_18 {strides = array<i32>} : memref<128xf32, #tpu.memory_space<vmem>>, vector<16xf32>,
    %broadcast_in_dim3A_19 = arith.constant 1.000000e+00 : f32
    %broadcast_in_dim3A_20 = vector.broadcast %broadcast_in_dim3A_19 : f32 to vector<16xf32>
    %swap3A_21 = arith.constant 48 : index
    %swap3A_22 = tpu.vector_load %arg5[%swap3A_21] {strides = array<i32>} : memref<128xf32, #tpu.memory_space<vmem>>, vector<16xf32>,
    %swap3A_23 = vector.shape_cast %swap3A_22 : vector<16xf32> to vector<16xf32>
    %swap3A_24 = vector.shape_cast %broadcast_in_dim3A_20 : vector<16xf32> to vector<16xf32>
    tpu.vector_store %arg5[%swap3A_21], %swap3A_24 {strides = array<i32>} : memref<128xf32, #tpu.memory_space<vmem>>, vector<16xf32>,
    %broadcast_in_dim3A_25 = arith.constant 1.000000e+00 : f32
    %broadcast_in_dim3A_26 = vector.broadcast %broadcast_in_dim3A_25 : f32 to vector<16xf32>
    %swap3A_27 = arith.constant 64 : index
    %swap3A_28 = tpu.vector_load %arg5[%swap3A_27] {strides = array<i32>} : memref<128xf32, #tpu.memory_space<vmem>>, vector<16xf32>,
    %swap3A_29 = vector.shape_cast %swap3A_28 : vector<16xf32> to vector<16xf32>
    %swap3A_30 = vector.shape_cast %broadcast_in_dim3A_26 : vector<16xf32> to vector<16xf32>
    tpu.vector_store %arg5[%swap3A_27], %swap3A_30 {strides = array<i32>} : memref<128xf32, #tpu.memory_space<vmem>>, vector<16xf32>,
    %broadcast_in_dim3A_31 = arith.constant 1.000000e+00 : f32
    %broadcast_in_dim3A_32 = vector.broadcast %broadcast_in_dim3A_31 : f32 to vector<16xf32>
    %swap3A_33 = arith.constant 80 : index
    %swap3A_34 = tpu.vector_load %arg5[%swap3A_33] {strides = array<i32>} : memref<128xf32, #tpu.memory_space<vmem>>, vector<16xf32>,
    %swap3A_35 = vector.shape_cast %swap3A_34 : vector<16xf32> to vector<16xf32>
    %swap3A_36 = vector.shape_cast %broadcast_in_dim3A_32 : vector<16xf32> to vector<16xf32>
    tpu.vector_store %arg5[%swap3A_33], %swap3A_36 {strides = array<i32>} : memref<128xf32, #tpu.memory_space<vmem>>, vector<16xf32>,
    %broadcast_in_dim3A_37 = arith.constant 1.000000e+00 : f32
    %broadcast_in_dim3A_38 = vector.broadcast %broadcast_in_dim3A_37 : f32 to vector<16xf32>
    %swap3A_39 = arith.constant 96 : index
    %swap3A_40 = tpu.vector_load %arg5[%swap3A_39] {strides = array<i32>} : memref<128xf32, #tpu.memory_space<vmem>>, vector<16xf32>,
    %swap3A_41 = vector.shape_cast %swap3A_40 : vector<16xf32> to vector<16xf32>
    %swap3A_42 = vector.shape_cast %broadcast_in_dim3A_38 : vector<16xf32> to vector<16xf32>
    tpu.vector_store %arg5[%swap3A_39], %swap3A_42 {strides = array<i32>} : memref<128xf32, #tpu.memory_space<vmem>>, vector<16xf32>,
    %broadcast_in_dim3A_43 = arith.constant 1.000000e+00 : f32
    %broadcast_in_dim3A_44 = vector.broadcast %broadcast_in_dim3A_43 : f32 to vector<16xf32>
    %swap3A_45 = arith.constant 112 : index
    %swap3A_46 = tpu.vector_load %arg5[%swap3A_45] {strides = array<i32>} : memref<128xf32, #tpu.memory_space<vmem>>, vector<16xf32>,
    %swap3A_47 = vector.shape_cast %swap3A_46 : vector<16xf32> to vector<16xf32>
    %swap3A_48 = vector.shape_cast %broadcast_in_dim3A_44 : vector<16xf32> to vector<16xf32>
    tpu.vector_store %arg5[%swap3A_45], %swap3A_48 {strides = array<i32>} : memref<128xf32, #tpu.memory_space<vmem>>, vector<16xf32>,
    %broadcast_in_dim3A_49 = arith.constant 0.000000e+00 : f32
    %broadcast_in_dim3A_50 = vector.broadcast %broadcast_in_dim3A_49 : f32 to vector<16xf32>
    %swap3A_51 = arith.constant 0 : index
    %swap3A_52 = tpu.vector_load %arg6[%swap3A_51] {strides = array<i32>} : memref<640xf32, #tpu.memory_space<vmem>>, vector<16xf32>,
    %swap3A_53 = vector.shape_cast %swap3A_52 : vector<16xf32> to vector<16xf32>
    %swap3A_54 = vector.shape_cast %broadcast_in_dim3A_50 : vector<16xf32> to vector<16xf32>
    tpu.vector_store %arg6[%swap3A_51], %swap3A_54 {strides = array<i32>} : memref<640xf32, #tpu.memory_space<vmem>>, vector<16xf32>,
    %broadcast_in_dim3A_55 = arith.constant 0.000000e+00 : f32
    %broadcast_in_dim3A_56 = vector.broadcast %broadcast_in_dim3A_55 : f32 to vector<16xf32>
    %swap3A_57 = arith.constant 16 : index
    %swap3A_58 = tpu.vector_load %arg6[%swap3A_57] {strides = array<i32>} : memref<640xf32, #tpu.memory_space<vmem>>, vector<16xf32>,
    %swap3A_59 = vector.shape_cast %swap3A_58 : vector<16xf32> to vector<16xf32>
    %swap3A_60 = vector.shape_cast %broadcast_in_dim3A_56 : vector<16xf32> to vector<16xf32>
    tpu.vector_store %arg6[%swap3A_57], %swap3A_60 {strides = array<i32>} : memref<640xf32, #tpu.memory_space<vmem>>, vector<16xf32>,
    %broadcast_in_dim3A_61 = arith.constant 0.000000e+00 : f32
    %broadcast_in_dim3A_62 = vector.broadcast %broadcast_in_dim3A_61 : f32 to vector<16xf32>
    %swap3A_63 = arith.constant 32 : index
    %swap3A_64 = tpu.vector_load %arg6[%swap3A_63] {strides = array<i32>} : memref<640xf32, #tpu.memory_space<vmem>>, vector<16xf32>,
    %swap3A_65 = vector.shape_cast %swap3A_64 : vector<16xf32> to vector<16xf32>
    %swap3A_66 = vector.shape_cast %broadcast_in_dim3A_62 : vector<16xf32> to vector<16xf32>
    tpu.vector_store %arg6[%swap3A_63], %swap3A_66 {strides = array<i32>} : memref<640xf32, #tpu.memory_space<vmem>>, vector<16xf32>,
    %broadcast_in_dim3A_67 = arith.constant 0.000000e+00 : f32
    %broadcast_in_dim3A_68 = vector.broadcast %broadcast_in_dim3A_67 : f32 to vector<16xf32>
    %swap3A_69 = arith.constant 48 : index
    %swap3A_70 = tpu.vector_load %arg6[%swap3A_69] {strides = array<i32>} : memref<640xf32, #tpu.memory_space<vmem>>, vector<16xf32>,
    %swap3A_71 = vector.shape_cast %swap3A_70 : vector<16xf32> to vector<16xf32>
    %swap3A_72 = vector.shape_cast %broadcast_in_dim3A_68 : vector<16xf32> to vector<16xf32>
    tpu.vector_store %arg6[%swap3A_69], %swap3A_72 {strides = array<i32>} : memref<640xf32, #tpu.memory_space<vmem>>, vector<16xf32>,
    %broadcast_in_dim3A_73 = arith.constant 0.000000e+00 : f32
    %broadcast_in_dim3A_74 = vector.broadcast %broadcast_in_dim3A_73 : f32 to vector<16xf32>
    %swap3A_75 = arith.constant 64 : index
    %swap3A_76 = tpu.vector_load %arg6[%swap3A_75] {strides = array<i32>} : memref<640xf32, #tpu.memory_space<vmem>>, vector<16xf32>,
    %swap3A_77 = vector.shape_cast %swap3A_76 : vector<16xf32> to vector<16xf32>
    %swap3A_78 = vector.shape_cast %broadcast_in_dim3A_74 : vector<16xf32> to vector<16xf32>
    tpu.vector_store %arg6[%swap3A_75], %swap3A_78 {strides = array<i32>} : memref<640xf32, #tpu.memory_space<vmem>>, vector<16xf32>,
    %broadcast_in_dim3A_79 = arith.constant 0.000000e+00 : f32
    %broadcast_in_dim3A_80 = vector.broadcast %broadcast_in_dim3A_79 : f32 to vector<16xf32>
    %swap3A_81 = arith.constant 80 : index
    %swap3A_82 = tpu.vector_load %arg6[%swap3A_81] {strides = array<i32>} : memref<640xf32, #tpu.memory_space<vmem>>, vector<16xf32>,
    %swap3A_83 = vector.shape_cast %swap3A_82 : vector<16xf32> to vector<16xf32>
    %swap3A_84 = vector.shape_cast %broadcast_in_dim3A_80 : vector<16xf32> to vector<16xf32>
    tpu.vector_store %arg6[%swap3A_81], %swap3A_84 {strides = array<i32>} : memref<640xf32, #tpu.memory_space<vmem>>, vector<16xf32>,
    %broadcast_in_dim3A_85 = arith.constant 0.000000e+00 : f32
    %broadcast_in_dim3A_86 = vector.broadcast %broadcast_in_dim3A_85 : f32 to vector<16xf32>
    %swap3A_87 = arith.constant 96 : index
    %swap3A_88 = tpu.vector_load %arg6[%swap3A_87] {strides = array<i32>} : memref<640xf32, #tpu.memory_space<vmem>>, vector<16xf32>,
    %swap3A_89 = vector.shape_cast %swap3A_88 : vector<16xf32> to vector<16xf32>
    %swap3A_90 = vector.shape_cast %broadcast_in_dim3A_86 : vector<16xf32> to vector<16xf32>
    tpu.vector_store %arg6[%swap3A_87], %swap3A_90 {strides = array<i32>} : memref<640xf32, #tpu.memory_space<vmem>>, vector<16xf32>,
    %broadcast_in_dim3A_91 = arith.constant 0.000000e+00 : f32
    %broadcast_in_dim3A_92 = vector.broadcast %broadcast_in_dim3A_91 : f32 to vector<16xf32>
    %swap3A_93 = arith.constant 112 : index
    %swap3A_94 = tpu.vector_load %arg6[%swap3A_93] {strides = array<i32>} : memref<640xf32, #tpu.memory_space<vmem>>, vector<16xf32>,
    %swap3A_95 = vector.shape_cast %swap3A_94 : vector<16xf32> to vector<16xf32>
    %swap3A_96 = vector.shape_cast %broadcast_in_dim3A_92 : vector<16xf32> to vector<16xf32>
    tpu.vector_store %arg6[%swap3A_93], %swap3A_96 {strides = array<i32>} : memref<640xf32, #tpu.memory_space<vmem>>, vector<16xf32>,
    %broadcast_in_dim3A_97 = arith.constant 0.000000e+00 : f32
    %broadcast_in_dim3A_98 = vector.broadcast %broadcast_in_dim3A_97 : f32 to vector<16xf32>
    %swap3A_99 = arith.constant 128 : index
    %swap3A_100 = tpu.vector_load %arg6[%swap3A_99] {strides = array<i32>} : memref<640xf32, #tpu.memory_space<vmem>>, vector<16xf32>,
    %swap3A_101 = vector.shape_cast %swap3A_100 : vector<16xf32> to vector<16xf32>
    %swap3A_102 = vector.shape_cast %broadcast_in_dim3A_98 : vector<16xf32> to vector<16xf32>
    tpu.vector_store %arg6[%swap3A_99], %swap3A_102 {strides = array<i32>} : memref<640xf32, #tpu.memory_space<vmem>>, vector<16xf32>,
    %broadcast_in_dim3A_103 = arith.constant 0.000000e+00 : f32
    %broadcast_in_dim3A_104 = vector.broadcast %broadcast_in_dim3A_103 : f32 to vector<16xf32>
    %swap3A_105 = arith.constant 144 : index
    %swap3A_106 = tpu.vector_load %arg6[%swap3A_105] {strides = array<i32>} : memref<640xf32, #tpu.memory_space<vmem>>, vector<16xf32>,
    %swap3A_107 = vector.shape_cast %swap3A_106 : vector<16xf32> to vector<16xf32>
    %swap3A_108 = vector.shape_cast %broadcast_in_dim3A_104 : vector<16xf32> to vector<16xf32>
    tpu.vector_store %arg6[%swap3A_105], %swap3A_108 {strides = array<i32>} : memref<640xf32, #tpu.memory_space<vmem>>, vector<16xf32>,
    %broadcast_in_dim3A_109 = arith.constant 0.000000e+00 : f32
    %broadcast_in_dim3A_110 = vector.broadcast %broadcast_in_dim3A_109 : f32 to vector<16xf32>
    %swap3A_111 = arith.constant 160 : index
    %swap3A_112 = tpu.vector_load %arg6[%swap3A_111] {strides = array<i32>} : memref<640xf32, #tpu.memory_space<vmem>>, vector<16xf32>,
    %swap3A_113 = vector.shape_cast %swap3A_112 : vector<16xf32> to vector<16xf32>
    %swap3A_114 = vector.shape_cast %broadcast_in_dim3A_110 : vector<16xf32> to vector<16xf32>
    tpu.vector_store %arg6[%swap3A_111], %swap3A_114 {strides = array<i32>} : memref<640xf32, #tpu.memory_space<vmem>>, vector<16xf32>,
    %broadcast_in_dim3A_115 = arith.constant 0.000000e+00 : f32
    %broadcast_in_dim3A_116 = vector.broadcast %broadcast_in_dim3A_115 : f32 to vector<16xf32>
    %swap3A_117 = arith.constant 176 : index
    %swap3A_118 = tpu.vector_load %arg6[%swap3A_117] {strides = array<i32>} : memref<640xf32, #tpu.memory_space<vmem>>, vector<16xf32>,
    %swap3A_119 = vector.shape_cast %swap3A_118 : vector<16xf32> to vector<16xf32>
    %swap3A_120 = vector.shape_cast %broadcast_in_dim3A_116 : vector<16xf32> to vector<16xf32>
    tpu.vector_store %arg6[%swap3A_117], %swap3A_120 {strides = array<i32>} : memref<640xf32, #tpu.memory_space<vmem>>, vector<16xf32>,
    %broadcast_in_dim3A_121 = arith.constant 0.000000e+00 : f32
    %broadcast_in_dim3A_122 = vector.broadcast %broadcast_in_dim3A_121 : f32 to vector<16xf32>
    %swap3A_123 = arith.constant 192 : index
    %swap3A_124 = tpu.vector_load %arg6[%swap3A_123] {strides = array<i32>} : memref<640xf32, #tpu.memory_space<vmem>>, vector<16xf32>,
    %swap3A_125 = vector.shape_cast %swap3A_124 : vector<16xf32> to vector<16xf32>
    %swap3A_126 = vector.shape_cast %broadcast_in_dim3A_122 : vector<16xf32> to vector<16xf32>
    tpu.vector_store %arg6[%swap3A_123], %swap3A_126 {strides = array<i32>} : memref<640xf32, #tpu.memory_space<vmem>>, vector<16xf32>,
    %broadcast_in_dim3A_127 = arith.constant 0.000000e+00 : f32
    %broadcast_in_dim3A_128 = vector.broadcast %broadcast_in_dim3A_127 : f32 to vector<16xf32>
    %swap3A_129 = arith.constant 208 : index
    %swap3A_130 = tpu.vector_load %arg6[%swap3A_129] {strides = array<i32>} : memref<640xf32, #tpu.memory_space<vmem>>, vector<16xf32>,
    %swap3A_131 = vector.shape_cast %swap3A_130 : vector<16xf32> to vector<16xf32>
    %swap3A_132 = vector.shape_cast %broadcast_in_dim3A_128 : vector<16xf32> to vector<16xf32>
    tpu.vector_store %arg6[%swap3A_129], %swap3A_132 {strides = array<i32>} : memref<640xf32, #tpu.memory_space<vmem>>, vector<16xf32>,
    %broadcast_in_dim3A_133 = arith.constant 0.000000e+00 : f32
    %broadcast_in_dim3A_134 = vector.broadcast %broadcast_in_dim3A_133 : f32 to vector<16xf32>
    %swap3A_135 = arith.constant 224 : index
    %swap3A_136 = tpu.vector_load %arg6[%swap3A_135] {strides = array<i32>} : memref<640xf32, #tpu.memory_space<vmem>>, vector<16xf32>,
    %swap3A_137 = vector.shape_cast %swap3A_136 : vector<16xf32> to vector<16xf32>
    %swap3A_138 = vector.shape_cast %broadcast_in_dim3A_134 : vector<16xf32> to vector<16xf32>
    tpu.vector_store %arg6[%swap3A_135], %swap3A_138 {strides = array<i32>} : memref<640xf32, #tpu.memory_space<vmem>>, vector<16xf32>,
    %broadcast_in_dim3A_139 = arith.constant 0.000000e+00 : f32
    %broadcast_in_dim3A_140 = vector.broadcast %broadcast_in_dim3A_139 : f32 to vector<16xf32>
    %swap3A_141 = arith.constant 240 : index
    %swap3A_142 = tpu.vector_load %arg6[%swap3A_141] {strides = array<i32>} : memref<640xf32, #tpu.memory_space<vmem>>, vector<16xf32>,
    %swap3A_143 = vector.shape_cast %swap3A_142 : vector<16xf32> to vector<16xf32>
    %swap3A_144 = vector.shape_cast %broadcast_in_dim3A_140 : vector<16xf32> to vector<16xf32>
    tpu.vector_store %arg6[%swap3A_141], %swap3A_144 {strides = array<i32>} : memref<640xf32, #tpu.memory_space<vmem>>, vector<16xf32>,
    %broadcast_in_dim3A_145 = arith.constant 0.000000e+00 : f32
    %broadcast_in_dim3A_146 = vector.broadcast %broadcast_in_dim3A_145 : f32 to vector<16xf32>
    %swap3A_147 = arith.constant 256 : index
    %swap3A_148 = tpu.vector_load %arg6[%swap3A_147] {strides = array<i32>} : memref<640xf32, #tpu.memory_space<vmem>>, vector<16xf32>,
    %swap3A_149 = vector.shape_cast %swap3A_148 : vector<16xf32> to vector<16xf32>
    %swap3A_150 = vector.shape_cast %broadcast_in_dim3A_146 : vector<16xf32> to vector<16xf32>
    tpu.vector_store %arg6[%swap3A_147], %swap3A_150 {strides = array<i32>} : memref<640xf32, #tpu.memory_space<vmem>>, vector<16xf32>,
    %broadcast_in_dim3A_151 = arith.constant 0.000000e+00 : f32
    %broadcast_in_dim3A_152 = vector.broadcast %broadcast_in_dim3A_151 : f32 to vector<16xf32>
    %swap3A_153 = arith.constant 272 : index
    %swap3A_154 = tpu.vector_load %arg6[%swap3A_153] {strides = array<i32>} : memref<640xf32, #tpu.memory_space<vmem>>, vector<16xf32>,
    %swap3A_155 = vector.shape_cast %swap3A_154 : vector<16xf32> to vector<16xf32>
    %swap3A_156 = vector.shape_cast %broadcast_in_dim3A_152 : vector<16xf32> to vector<16xf32>
    tpu.vector_store %arg6[%swap3A_153], %swap3A_156 {strides = array<i32>} : memref<640xf32, #tpu.memory_space<vmem>>, vector<16xf32>,
    %broadcast_in_dim3A_157 = arith.constant 0.000000e+00 : f32
    %broadcast_in_dim3A_158 = vector.broadcast %broadcast_in_dim3A_157 : f32 to vector<16xf32>
    %swap3A_159 = arith.constant 288 : index
    %swap3A_160 = tpu.vector_load %arg6[%swap3A_159] {strides = array<i32>} : memref<640xf32, #tpu.memory_space<vmem>>, vector<16xf32>,
    %swap3A_161 = vector.shape_cast %swap3A_160 : vector<16xf32> to vector<16xf32>
    %swap3A_162 = vector.shape_cast %broadcast_in_dim3A_158 : vector<16xf32> to vector<16xf32>
    tpu.vector_store %arg6[%swap3A_159], %swap3A_162 {strides = array<i32>} : memref<640xf32, #tpu.memory_space<vmem>>, vector<16xf32>,
    %broadcast_in_dim3A_163 = arith.constant 0.000000e+00 : f32
    %broadcast_in_dim3A_164 = vector.broadcast %broadcast_in_dim3A_163 : f32 to vector<16xf32>
    %swap3A_165 = arith.constant 304 : index
    %swap3A_166 = tpu.vector_load %arg6[%swap3A_165] {strides = array<i32>} : memref<640xf32, #tpu.memory_space<vmem>>, vector<16xf32>,
    %swap3A_167 = vector.shape_cast %swap3A_166 : vector<16xf32> to vector<16xf32>
    %swap3A_168 = vector.shape_cast %broadcast_in_dim3A_164 : vector<16xf32> to vector<16xf32>
    tpu.vector_store %arg6[%swap3A_165], %swap3A_168 {strides = array<i32>} : memref<640xf32, #tpu.memory_space<vmem>>, vector<16xf32>,
    %broadcast_in_dim3A_169 = arith.constant 0.000000e+00 : f32
    %broadcast_in_dim3A_170 = vector.broadcast %broadcast_in_dim3A_169 : f32 to vector<16xf32>
    %swap3A_171 = arith.constant 320 : index
    %swap3A_172 = tpu.vector_load %arg6[%swap3A_171] {strides = array<i32>} : memref<640xf32, #tpu.memory_space<vmem>>, vector<16xf32>,
    %swap3A_173 = vector.shape_cast %swap3A_172 : vector<16xf32> to vector<16xf32>
    %swap3A_174 = vector.shape_cast %broadcast_in_dim3A_170 : vector<16xf32> to vector<16xf32>
    tpu.vector_store %arg6[%swap3A_171], %swap3A_174 {strides = array<i32>} : memref<640xf32, #tpu.memory_space<vmem>>, vector<16xf32>,
    %broadcast_in_dim3A_175 = arith.constant 0.000000e+00 : f32
    %broadcast_in_dim3A_176 = vector.broadcast %broadcast_in_dim3A_175 : f32 to vector<16xf32>
    %swap3A_177 = arith.constant 336 : index
    %swap3A_178 = tpu.vector_load %arg6[%swap3A_177] {strides = array<i32>} : memref<640xf32, #tpu.memory_space<vmem>>, vector<16xf32>,
    %swap3A_179 = vector.shape_cast %swap3A_178 : vector<16xf32> to vector<16xf32>
    %swap3A_180 = vector.shape_cast %broadcast_in_dim3A_176 : vector<16xf32> to vector<16xf32>
    tpu.vector_store %arg6[%swap3A_177], %swap3A_180 {strides = array<i32>} : memref<640xf32, #tpu.memory_space<vmem>>, vector<16xf32>,
    %broadcast_in_dim3A_181 = arith.constant 0.000000e+00 : f32
    %broadcast_in_dim3A_182 = vector.broadcast %broadcast_in_dim3A_181 : f32 to vector<16xf32>
    %swap3A_183 = arith.constant 352 : index
    %swap3A_184 = tpu.vector_load %arg6[%swap3A_183] {strides = array<i32>} : memref<640xf32, #tpu.memory_space<vmem>>, vector<16xf32>,
    %swap3A_185 = vector.shape_cast %swap3A_184 : vector<16xf32> to vector<16xf32>
    %swap3A_186 = vector.shape_cast %broadcast_in_dim3A_182 : vector<16xf32> to vector<16xf32>
    tpu.vector_store %arg6[%swap3A_183], %swap3A_186 {strides = array<i32>} : memref<640xf32, #tpu.memory_space<vmem>>, vector<16xf32>,
    %broadcast_in_dim3A_187 = arith.constant 0.000000e+00 : f32
    %broadcast_in_dim3A_188 = vector.broadcast %broadcast_in_dim3A_187 : f32 to vector<16xf32>
    %swap3A_189 = arith.constant 368 : index
    %swap3A_190 = tpu.vector_load %arg6[%swap3A_189] {strides = array<i32>} : memref<640xf32, #tpu.memory_space<vmem>>, vector<16xf32>,
    %swap3A_191 = vector.shape_cast %swap3A_190 : vector<16xf32> to vector<16xf32>
    %swap3A_192 = vector.shape_cast %broadcast_in_dim3A_188 : vector<16xf32> to vector<16xf32>
    tpu.vector_store %arg6[%swap3A_189], %swap3A_192 {strides = array<i32>} : memref<640xf32, #tpu.memory_space<vmem>>, vector<16xf32>,
    %broadcast_in_dim3A_193 = arith.constant 0.000000e+00 : f32
    %broadcast_in_dim3A_194 = vector.broadcast %broadcast_in_dim3A_193 : f32 to vector<16xf32>
    %swap3A_195 = arith.constant 384 : index
    %swap3A_196 = tpu.vector_load %arg6[%swap3A_195] {strides = array<i32>} : memref<640xf32, #tpu.memory_space<vmem>>, vector<16xf32>,
    %swap3A_197 = vector.shape_cast %swap3A_196 : vector<16xf32> to vector<16xf32>
    %swap3A_198 = vector.shape_cast %broadcast_in_dim3A_194 : vector<16xf32> to vector<16xf32>
    tpu.vector_store %arg6[%swap3A_195], %swap3A_198 {strides = array<i32>} : memref<640xf32, #tpu.memory_space<vmem>>, vector<16xf32>,
    %broadcast_in_dim3A_199 = arith.constant 0.000000e+00 : f32
    %broadcast_in_dim3A_200 = vector.broadcast %broadcast_in_dim3A_199 : f32 to vector<16xf32>
    %swap3A_201 = arith.constant 400 : index
    %swap3A_202 = tpu.vector_load %arg6[%swap3A_201] {strides = array<i32>} : memref<640xf32, #tpu.memory_space<vmem>>, vector<16xf32>,
    %swap3A_203 = vector.shape_cast %swap3A_202 : vector<16xf32> to vector<16xf32>
    %swap3A_204 = vector.shape_cast %broadcast_in_dim3A_200 : vector<16xf32> to vector<16xf32>
    tpu.vector_store %arg6[%swap3A_201], %swap3A_204 {strides = array<i32>} : memref<640xf32, #tpu.memory_space<vmem>>, vector<16xf32>,
    %broadcast_in_dim3A_205 = arith.constant 0.000000e+00 : f32
    %broadcast_in_dim3A_206 = vector.broadcast %broadcast_in_dim3A_205 : f32 to vector<16xf32>
    %swap3A_207 = arith.constant 416 : index
    %swap3A_208 = tpu.vector_load %arg6[%swap3A_207] {strides = array<i32>} : memref<640xf32, #tpu.memory_space<vmem>>, vector<16xf32>,
    %swap3A_209 = vector.shape_cast %swap3A_208 : vector<16xf32> to vector<16xf32>
    %swap3A_210 = vector.shape_cast %broadcast_in_dim3A_206 : vector<16xf32> to vector<16xf32>
    tpu.vector_store %arg6[%swap3A_207], %swap3A_210 {strides = array<i32>} : memref<640xf32, #tpu.memory_space<vmem>>, vector<16xf32>,
    %broadcast_in_dim3A_211 = arith.constant 0.000000e+00 : f32
    %broadcast_in_dim3A_212 = vector.broadcast %broadcast_in_dim3A_211 : f32 to vector<16xf32>
    %swap3A_213 = arith.constant 432 : index
    %swap3A_214 = tpu.vector_load %arg6[%swap3A_213] {strides = array<i32>} : memref<640xf32, #tpu.memory_space<vmem>>, vector<16xf32>,
    %swap3A_215 = vector.shape_cast %swap3A_214 : vector<16xf32> to vector<16xf32>
    %swap3A_216 = vector.shape_cast %broadcast_in_dim3A_212 : vector<16xf32> to vector<16xf32>
    tpu.vector_store %arg6[%swap3A_213], %swap3A_216 {strides = array<i32>} : memref<640xf32, #tpu.memory_space<vmem>>, vector<16xf32>,
    %broadcast_in_dim3A_217 = arith.constant 0.000000e+00 : f32
    %broadcast_in_dim3A_218 = vector.broadcast %broadcast_in_dim3A_217 : f32 to vector<16xf32>
    %swap3A_219 = arith.constant 448 : index
    %swap3A_220 = tpu.vector_load %arg6[%swap3A_219] {strides = array<i32>} : memref<640xf32, #tpu.memory_space<vmem>>, vector<16xf32>,
    %swap3A_221 = vector.shape_cast %swap3A_220 : vector<16xf32> to vector<16xf32>
    %swap3A_222 = vector.shape_cast %broadcast_in_dim3A_218 : vector<16xf32> to vector<16xf32>
    tpu.vector_store %arg6[%swap3A_219], %swap3A_222 {strides = array<i32>} : memref<640xf32, #tpu.memory_space<vmem>>, vector<16xf32>,
    %broadcast_in_dim3A_223 = arith.constant 0.000000e+00 : f32
    %broadcast_in_dim3A_224 = vector.broadcast %broadcast_in_dim3A_223 : f32 to vector<16xf32>
    %swap3A_225 = arith.constant 464 : index
    %swap3A_226 = tpu.vector_load %arg6[%swap3A_225] {strides = array<i32>} : memref<640xf32, #tpu.memory_space<vmem>>, vector<16xf32>,
    %swap3A_227 = vector.shape_cast %swap3A_226 : vector<16xf32> to vector<16xf32>
    %swap3A_228 = vector.shape_cast %broadcast_in_dim3A_224 : vector<16xf32> to vector<16xf32>
    tpu.vector_store %arg6[%swap3A_225], %swap3A_228 {strides = array<i32>} : memref<640xf32, #tpu.memory_space<vmem>>, vector<16xf32>,
    %broadcast_in_dim3A_229 = arith.constant 0.000000e+00 : f32
    %broadcast_in_dim3A_230 = vector.broadcast %broadcast_in_dim3A_229 : f32 to vector<16xf32>
    %swap3A_231 = arith.constant 480 : index
    %swap3A_232 = tpu.vector_load %arg6[%swap3A_231] {strides = array<i32>} : memref<640xf32, #tpu.memory_space<vmem>>, vector<16xf32>,
    %swap3A_233 = vector.shape_cast %swap3A_232 : vector<16xf32> to vector<16xf32>
    %swap3A_234 = vector.shape_cast %broadcast_in_dim3A_230 : vector<16xf32> to vector<16xf32>
    tpu.vector_store %arg6[%swap3A_231], %swap3A_234 {strides = array<i32>} : memref<640xf32, #tpu.memory_space<vmem>>, vector<16xf32>,
    %broadcast_in_dim3A_235 = arith.constant 0.000000e+00 : f32
    %broadcast_in_dim3A_236 = vector.broadcast %broadcast_in_dim3A_235 : f32 to vector<16xf32>
    %swap3A_237 = arith.constant 496 : index
    %swap3A_238 = tpu.vector_load %arg6[%swap3A_237] {strides = array<i32>} : memref<640xf32, #tpu.memory_space<vmem>>, vector<16xf32>,
    %swap3A_239 = vector.shape_cast %swap3A_238 : vector<16xf32> to vector<16xf32>
    %swap3A_240 = vector.shape_cast %broadcast_in_dim3A_236 : vector<16xf32> to vector<16xf32>
    tpu.vector_store %arg6[%swap3A_237], %swap3A_240 {strides = array<i32>} : memref<640xf32, #tpu.memory_space<vmem>>, vector<16xf32>,
    %broadcast_in_dim3A_241 = arith.constant 0.000000e+00 : f32
    %broadcast_in_dim3A_242 = vector.broadcast %broadcast_in_dim3A_241 : f32 to vector<16xf32>
    %swap3A_243 = arith.constant 512 : index
    %swap3A_244 = tpu.vector_load %arg6[%swap3A_243] {strides = array<i32>} : memref<640xf32, #tpu.memory_space<vmem>>, vector<16xf32>,
    %swap3A_245 = vector.shape_cast %swap3A_244 : vector<16xf32> to vector<16xf32>
    %swap3A_246 = vector.shape_cast %broadcast_in_dim3A_242 : vector<16xf32> to vector<16xf32>
    tpu.vector_store %arg6[%swap3A_243], %swap3A_246 {strides = array<i32>} : memref<640xf32, #tpu.memory_space<vmem>>, vector<16xf32>,
    %broadcast_in_dim3A_247 = arith.constant 0.000000e+00 : f32
    %broadcast_in_dim3A_248 = vector.broadcast %broadcast_in_dim3A_247 : f32 to vector<16xf32>
    %swap3A_249 = arith.constant 528 : index
    %swap3A_250 = tpu.vector_load %arg6[%swap3A_249] {strides = array<i32>} : memref<640xf32, #tpu.memory_space<vmem>>, vector<16xf32>,
    %swap3A_251 = vector.shape_cast %swap3A_250 : vector<16xf32> to vector<16xf32>
    %swap3A_252 = vector.shape_cast %broadcast_in_dim3A_248 : vector<16xf32> to vector<16xf32>
    tpu.vector_store %arg6[%swap3A_249], %swap3A_252 {strides = array<i32>} : memref<640xf32, #tpu.memory_space<vmem>>, vector<16xf32>,
    %broadcast_in_dim3A_253 = arith.constant 0.000000e+00 : f32
    %broadcast_in_dim3A_254 = vector.broadcast %broadcast_in_dim3A_253 : f32 to vector<16xf32>
    %swap3A_255 = arith.constant 544 : index
    %swap3A_256 = tpu.vector_load %arg6[%swap3A_255] {strides = array<i32>} : memref<640xf32, #tpu.memory_space<vmem>>, vector<16xf32>,
    %swap3A_257 = vector.shape_cast %swap3A_256 : vector<16xf32> to vector<16xf32>
    %swap3A_258 = vector.shape_cast %broadcast_in_dim3A_254 : vector<16xf32> to vector<16xf32>
    tpu.vector_store %arg6[%swap3A_255], %swap3A_258 {strides = array<i32>} : memref<640xf32, #tpu.memory_space<vmem>>, vector<16xf32>,
    %broadcast_in_dim3A_259 = arith.constant 0.000000e+00 : f32
    %broadcast_in_dim3A_260 = vector.broadcast %broadcast_in_dim3A_259 : f32 to vector<16xf32>
    %swap3A_261 = arith.constant 560 : index
    %swap3A_262 = tpu.vector_load %arg6[%swap3A_261] {strides = array<i32>} : memref<640xf32, #tpu.memory_space<vmem>>, vector<16xf32>,
    %swap3A_263 = vector.shape_cast %swap3A_262 : vector<16xf32> to vector<16xf32>
    %swap3A_264 = vector.shape_cast %broadcast_in_dim3A_260 : vector<16xf32> to vector<16xf32>
    tpu.vector_store %arg6[%swap3A_261], %swap3A_264 {strides = array<i32>} : memref<640xf32, #tpu.memory_space<vmem>>, vector<16xf32>,
    %broadcast_in_dim3A_265 = arith.constant 0.000000e+00 : f32
    %broadcast_in_dim3A_266 = vector.broadcast %broadcast_in_dim3A_265 : f32 to vector<16xf32>
    %swap3A_267 = arith.constant 576 : index
    %swap3A_268 = tpu.vector_load %arg6[%swap3A_267] {strides = array<i32>} : memref<640xf32, #tpu.memory_space<vmem>>, vector<16xf32>,
    %swap3A_269 = vector.shape_cast %swap3A_268 : vector<16xf32> to vector<16xf32>
    %swap3A_270 = vector.shape_cast %broadcast_in_dim3A_266 : vector<16xf32> to vector<16xf32>
    tpu.vector_store %arg6[%swap3A_267], %swap3A_270 {strides = array<i32>} : memref<640xf32, #tpu.memory_space<vmem>>, vector<16xf32>,
    %broadcast_in_dim3A_271 = arith.constant 0.000000e+00 : f32
    %broadcast_in_dim3A_272 = vector.broadcast %broadcast_in_dim3A_271 : f32 to vector<16xf32>
    %swap3A_273 = arith.constant 592 : index
    %swap3A_274 = tpu.vector_load %arg6[%swap3A_273] {strides = array<i32>} : memref<640xf32, #tpu.memory_space<vmem>>, vector<16xf32>,
    %swap3A_275 = vector.shape_cast %swap3A_274 : vector<16xf32> to vector<16xf32>
    %swap3A_276 = vector.shape_cast %broadcast_in_dim3A_272 : vector<16xf32> to vector<16xf32>
    tpu.vector_store %arg6[%swap3A_273], %swap3A_276 {strides = array<i32>} : memref<640xf32, #tpu.memory_space<vmem>>, vector<16xf32>,
    %broadcast_in_dim3A_277 = arith.constant 0.000000e+00 : f32
    %broadcast_in_dim3A_278 = vector.broadcast %broadcast_in_dim3A_277 : f32 to vector<16xf32>
    %swap3A_279 = arith.constant 608 : index
    %swap3A_280 = tpu.vector_load %arg6[%swap3A_279] {strides = array<i32>} : memref<640xf32, #tpu.memory_space<vmem>>, vector<16xf32>,
    %swap3A_281 = vector.shape_cast %swap3A_280 : vector<16xf32> to vector<16xf32>
    %swap3A_282 = vector.shape_cast %broadcast_in_dim3A_278 : vector<16xf32> to vector<16xf32>
    tpu.vector_store %arg6[%swap3A_279], %swap3A_282 {strides = array<i32>} : memref<640xf32, #tpu.memory_space<vmem>>, vector<16xf32>,
    %broadcast_in_dim3A_283 = arith.constant 0.000000e+00 : f32
    %broadcast_in_dim3A_284 = vector.broadcast %broadcast_in_dim3A_283 : f32 to vector<16xf32>
    %swap3A_285 = arith.constant 624 : index
    %swap3A_286 = tpu.vector_load %arg6[%swap3A_285] {strides = array<i32>} : memref<640xf32, #tpu.memory_space<vmem>>, vector<16xf32>,
    %swap3A_287 = vector.shape_cast %swap3A_286 : vector<16xf32> to vector<16xf32>
    %swap3A_288 = vector.shape_cast %broadcast_in_dim3A_284 : vector<16xf32> to vector<16xf32>
    tpu.vector_store %arg6[%swap3A_285], %swap3A_288 {strides = array<i32>} : memref<640xf32, #tpu.memory_space<vmem>>, vector<16xf32>,
    "tpu.region"() ({
      %run_scoped3A = tpu.sem_alloc : memref<!tpu.dma_semaphore, #tpu.memory_space<semaphore_mem>>
      %dma_start3A = tpu.memref_slice %arg7[%mul3A_2] : memref<10240xf32, #tpu.memory_space<vmem_shared>> -> memref<640xf32, #tpu.memory_space<vmem_shared>>
      %dma_start3A_301 = tpu.memref_slice %arg7[%mul3A_2] : memref<10240xf32, #tpu.memory_space<vmem_shared>> -> memref<640xf32, #tpu.memory_space<vmem_shared>>
      tpu.enqueue_dma source(%arg6 : memref<640xf32, #tpu.memory_space<vmem>>) target(%dma_start3A_301 : memref<640xf32, #tpu.memory_space<vmem_shared>>) target_semaphore(%run_scoped3A : memref<!tpu.dma_semaphore, #tpu.memory_space<semaphore_mem>>)
      %dma_wait3A = tpu.memref_slice %arg7[%mul3A_2] : memref<10240xf32, #tpu.memory_space<vmem_shared>> -> memref<640xf32, #tpu.memory_space<vmem_shared>>
      %dma_wait3A_302 = tpu.memref_slice %arg7[%mul3A_2] : memref<10240xf32, #tpu.memory_space<vmem_shared>> -> memref<640xf32, #tpu.memory_space<vmem_shared>>
      tpu.wait_dma2 semaphore(%run_scoped3A : memref<!tpu.dma_semaphore, #tpu.memory_space<semaphore_mem>>) src(%arg6 : memref<640xf32, #tpu.memory_space<vmem>>) dst(%dma_wait3A_302 : memref<640xf32, #tpu.memory_space<vmem_shared>>)
      tpu.yield
    }) : () -> ()
    "tpu.region"() ({
      %run_scoped3A = tpu.sem_alloc : memref<!tpu.dma_semaphore, #tpu.memory_space<semaphore_mem>>
      %dma_start3A = arith.constant 0 : i32
      %dma_start3A_301 = arith.constant 0 : i32
      %dma_start3A_302 = tpu.memref_slice %arg2[%add3A, %dma_start3A, %dma_start3A_301] : memref<32x80x128xi32, #tpu.memory_space<hbm>> -> memref<1x80x128xi32, #tpu.memory_space<hbm>>
      %dma_start3A_303 = tpu.memref_squeeze %dma_start3A_302 : memref<1x80x128xi32, #tpu.memory_space<hbm>> -> memref<80x128xi32, #tpu.memory_space<hbm>>
      %dma_start3A_304 = arith.constant 0 : i32
      %dma_start3A_305 = arith.constant 0 : i32
      %dma_start3A_306 = tpu.memref_slice %arg2[%add3A, %dma_start3A_304, %dma_start3A_305] : memref<32x80x128xi32, #tpu.memory_space<hbm>> -> memref<1x80x128xi32, #tpu.memory_space<hbm>>
      %dma_start3A_307 = tpu.memref_squeeze %dma_start3A_306 : memref<1x80x128xi32, #tpu.memory_space<hbm>> -> memref<80x128xi32, #tpu.memory_space<hbm>>
      tpu.enqueue_dma source(%dma_start3A_307 : memref<80x128xi32, #tpu.memory_space<hbm>>) target(%arg4 : memref<80x128xi32, #tpu.memory_space<vmem>>) target_semaphore(%run_scoped3A : memref<!tpu.dma_semaphore, #tpu.memory_space<semaphore_mem>>)
      %dma_wait3A = arith.constant 0 : i32
      %dma_wait3A_308 = arith.constant 0 : i32
      %dma_wait3A_309 = tpu.memref_slice %arg2[%add3A, %dma_wait3A, %dma_wait3A_308] : memref<32x80x128xi32, #tpu.memory_space<hbm>> -> memref<1x80x128xi32, #tpu.memory_space<hbm>>
      %dma_wait3A_310 = tpu.memref_squeeze %dma_wait3A_309 : memref<1x80x128xi32, #tpu.memory_space<hbm>> -> memref<80x128xi32, #tpu.memory_space<hbm>>
      %dma_wait3A_311 = arith.constant 0 : i32
      %dma_wait3A_312 = arith.constant 0 : i32
      %dma_wait3A_313 = tpu.memref_slice %arg2[%add3A, %dma_wait3A_311, %dma_wait3A_312] : memref<32x80x128xi32, #tpu.memory_space<hbm>> -> memref<1x80x128xi32, #tpu.memory_space<hbm>>
      %dma_wait3A_314 = tpu.memref_squeeze %dma_wait3A_313 : memref<1x80x128xi32, #tpu.memory_space<hbm>> -> memref<80x128xi32, #tpu.memory_space<hbm>>
      tpu.wait_dma2 semaphore(%run_scoped3A : memref<!tpu.dma_semaphore, #tpu.memory_space<semaphore_mem>>) src(%dma_wait3A_314 : memref<80x128xi32, #tpu.memory_space<hbm>>) dst(%arg4 : memref<80x128xi32, #tpu.memory_space<vmem>>)
      tpu.yield
    }) : () -> ()
    %barrier3A = arith.constant 0 : index
    tpu.barrier barrier_id(%barrier3A)
    %scan3A = arith.constant 0 : i32
    %scan3A_289 = arith.constant 0 : i32
    %scan3A_290 = arith.constant 80 : i32
    %scan3A_291 = arith.addi %scan3A_289, %scan3A_290 : i32
    %scan3A_292 = arith.constant 1 : i32
    scf.for %scan3A_301 = %scan3A_289 to %scan3A_291 step %scan3A_292  : i32 {
      %dma_start3A = arith.constant 0 : i32
      %dma_start3A_302 = tpu.memref_slice %arg4[%scan3A_301, %dma_start3A] : memref<80x128xi32, #tpu.memory_space<vmem>> -> memref<1x128xi32, #tpu.memory_space<vmem>>
      %dma_start3A_303 = tpu.memref_squeeze %dma_start3A_302 : memref<1x128xi32, #tpu.memory_space<vmem>> -> memref<128xi32, #tpu.memory_space<vmem>>
      %dma_start3A_304 = arith.constant 0 : i32
      %dma_start3A_305 = tpu.memref_slice %arg7[%dma_start3A_304] : memref<10240xf32, #tpu.memory_space<vmem_shared>> -> memref<10240xf32, #tpu.memory_space<vmem_shared>>
      tpu.enqueue_indirect_dma source(%arg5 : memref<128xf32, #tpu.memory_space<vmem>>) target(%dma_start3A_305 : memref<10240xf32, #tpu.memory_space<vmem_shared>>) offsets(%dma_start3A_303 : memref<128xi32, #tpu.memory_space<vmem>>) semaphore(%arg8 : memref<!tpu.dma_semaphore, #tpu.memory_space<semaphore_mem>>) {add = true}
    }
    %scan3A_293 = arith.constant 80 : i32
    %scan3A_294 = arith.constant 0 : i32
    %scan3A_295 = arith.constant 0 : i32
    %scan3A_296 = arith.constant 80 : i32
    %scan3A_297 = arith.addi %scan3A_295, %scan3A_296 : i32
    %scan3A_298 = arith.constant 1 : i32
    scf.for %scan3A_301 = %scan3A_295 to %scan3A_297 step %scan3A_298  : i32 {
      %dma_wait3A = arith.constant 0 : i32
      %dma_wait3A_302 = tpu.memref_slice %arg4[%scan3A_301, %dma_wait3A] : memref<80x128xi32, #tpu.memory_space<vmem>> -> memref<1x128xi32, #tpu.memory_space<vmem>>
      %dma_wait3A_303 = tpu.memref_squeeze %dma_wait3A_302 : memref<1x128xi32, #tpu.memory_space<vmem>> -> memref<128xi32, #tpu.memory_space<vmem>>
      %dma_wait3A_304 = arith.constant 0 : i32
      %dma_wait3A_305 = tpu.memref_slice %arg7[%dma_wait3A_304] : memref<10240xf32, #tpu.memory_space<vmem_shared>> -> memref<10240xf32, #tpu.memory_space<vmem_shared>>
      tpu.wait_indirect_dma semaphore(%arg8 : memref<!tpu.dma_semaphore, #tpu.memory_space<semaphore_mem>>) src(%arg5 : memref<128xf32, #tpu.memory_space<vmem>>) dst(%dma_wait3A_305 : memref<10240xf32, #tpu.memory_space<vmem_shared>>)
    }
    %scan3A_299 = arith.constant 80 : i32
    %barrier3A_300 = arith.constant 0 : index
    tpu.barrier barrier_id(%barrier3A_300)
    "tpu.region"() ({
      %run_scoped3A = tpu.sem_alloc : memref<!tpu.dma_semaphore, #tpu.memory_space<semaphore_mem>>
      %dma_start3A = tpu.memref_slice %arg3[%arg0, %mul3A_2] : memref<2x10240xf32, #tpu.memory_space<hbm>> -> memref<1x640xf32, #tpu.memory_space<hbm>>
      %dma_start3A_301 = tpu.memref_squeeze %dma_start3A : memref<1x640xf32, #tpu.memory_space<hbm>> -> memref<640xf32, #tpu.memory_space<hbm>>
      %dma_start3A_302 = tpu.memref_slice %arg7[%mul3A_2] : memref<10240xf32, #tpu.memory_space<vmem_shared>> -> memref<640xf32, #tpu.memory_space<vmem_shared>>
      tpu.enqueue_dma source(%dma_start3A_302 : memref<640xf32, #tpu.memory_space<vmem_shared>>) target(%dma_start3A_301 : memref<640xf32, #tpu.memory_space<hbm>>) target_semaphore(%run_scoped3A : memref<!tpu.dma_semaphore, #tpu.memory_space<semaphore_mem>>)
      %dma_wait3A = tpu.memref_slice %arg3[%arg0, %mul3A_2] : memref<2x10240xf32, #tpu.memory_space<hbm>> -> memref<1x640xf32, #tpu.memory_space<hbm>>
      %dma_wait3A_303 = tpu.memref_squeeze %dma_wait3A : memref<1x640xf32, #tpu.memory_space<hbm>> -> memref<640xf32, #tpu.memory_space<hbm>>
      %dma_wait3A_304 = tpu.memref_slice %arg7[%mul3A_2] : memref<10240xf32, #tpu.memory_space<vmem_shared>> -> memref<640xf32, #tpu.memory_space<vmem_shared>>
      tpu.wait_dma2 semaphore(%run_scoped3A : memref<!tpu.dma_semaphore, #tpu.memory_space<semaphore_mem>>) src(%dma_wait3A_304 : memref<640xf32, #tpu.memory_space<vmem_shared>>) dst(%dma_wait3A_303 : memref<640xf32, #tpu.memory_space<hbm>>)
      tpu.yield
    }) : () -> ()
    return
  }
}

#map = affine_map<(d0, d1) -> (0, 0, 0)>
#map1 = affine_map<(d0, d1) -> (0, 0)>
module attributes {stable_mosaic.version = 14 : i64} {
  func.func @_scatter_kernel(%arg0: i32, %arg1: i32, %arg2: memref<32x80x128xi32, #tpu.memory_space<hbm>>, %arg3: memref<32x80x128xi32, #tpu.memory_space<hbm>>, %arg4: memref<10240x128xf32, #tpu.memory_space<hbm>>, %arg5: memref<2x10240x128xf32, #tpu.memory_space<hbm>>, %arg6: memref<40x128xi32, #tpu.memory_space<vmem>>, %arg7: memref<40x128xi32, #tpu.memory_space<vmem>>, %arg8: memref<128x128xf32, #tpu.memory_space<vmem>>, %arg9: memref<128x128xf32, #tpu.memory_space<vmem>>, %arg10: memref<10240x128xf32, #tpu.memory_space<vmem_shared>>, %arg11: memref<!tpu.dma_semaphore, #tpu.memory_space<semaphore_mem>>, %arg12: memref<!tpu.dma_semaphore, #tpu.memory_space<semaphore_mem>>, %arg13: memref<!tpu.dma_semaphore, #tpu.memory_space<semaphore_mem>>) attributes {dimension_semantics = [#tpu.dimension_semantics<core_parallel>, #tpu.dimension_semantics<subcore_parallel>], iteration_bounds = array<i64: 2, 16>, scalar_prefetch = 0 : i64, scratch_operands = 8 : i64, tpu.core_type = #tpu.core_type<sc_vector_subcore>, window_params = [{transform_indices = #map}, {transform_indices = #map}, {transform_indices = #map1}, {transform_indices = #map}]} {
    %mul3A = arith.constant 2 : i32
    %mul3A_0 = arith.muli %arg1, %mul3A : i32
    %add3A = arith.addi %mul3A_0, %arg0 : i32
    %mul3A_1 = arith.constant 640 : i32
    %mul3A_2 = arith.muli %arg1, %mul3A_1 : i32
    %dma_start3A = arith.constant 0 : i32
    %dma_start3A_3 = tpu.memref_slice %arg10[%mul3A_2, %dma_start3A] : memref<10240x128xf32, #tpu.memory_space<vmem_shared>> -> memref<640x128xf32, #tpu.memory_space<vmem_shared>>
    %dma_start3A_4 = arith.constant 0 : i32
    %dma_start3A_5 = tpu.memref_slice %arg4[%mul3A_2, %dma_start3A_4] : memref<10240x128xf32, #tpu.memory_space<hbm>> -> memref<640x128xf32, #tpu.memory_space<hbm>>
    tpu.enqueue_dma source(%dma_start3A_5 : memref<640x128xf32, #tpu.memory_space<hbm>>) target(%dma_start3A_3 : memref<640x128xf32, #tpu.memory_space<vmem_shared>>) target_semaphore(%arg13 : memref<!tpu.dma_semaphore, #tpu.memory_space<semaphore_mem>>)
    "tpu.region"() ({
      %run_scoped3A = tpu.sem_alloc : memref<!tpu.dma_semaphore, #tpu.memory_space<semaphore_mem>>
      %dma_start3A_35 = arith.constant 0 : i32
      %dma_start3A_36 = arith.constant 0 : i32
      %dma_start3A_37 = tpu.memref_slice %arg2[%add3A, %dma_start3A_35, %dma_start3A_36] : memref<32x80x128xi32, #tpu.memory_space<hbm>> -> memref<1x40x128xi32, #tpu.memory_space<hbm>>
      %dma_start3A_38 = tpu.memref_squeeze %dma_start3A_37 : memref<1x40x128xi32, #tpu.memory_space<hbm>> -> memref<40x128xi32, #tpu.memory_space<hbm>>
      %dma_start3A_39 = arith.constant 0 : i32
      %dma_start3A_40 = arith.constant 0 : i32
      %dma_start3A_41 = tpu.memref_slice %arg2[%add3A, %dma_start3A_39, %dma_start3A_40] : memref<32x80x128xi32, #tpu.memory_space<hbm>> -> memref<1x40x128xi32, #tpu.memory_space<hbm>>
      %dma_start3A_42 = tpu.memref_squeeze %dma_start3A_41 : memref<1x40x128xi32, #tpu.memory_space<hbm>> -> memref<40x128xi32, #tpu.memory_space<hbm>>
      tpu.enqueue_dma source(%dma_start3A_42 : memref<40x128xi32, #tpu.memory_space<hbm>>) target(%arg6 : memref<40x128xi32, #tpu.memory_space<vmem>>) target_semaphore(%run_scoped3A : memref<!tpu.dma_semaphore, #tpu.memory_space<semaphore_mem>>)
      %dma_wait3A_43 = arith.constant 0 : i32
      %dma_wait3A_44 = arith.constant 0 : i32
      %dma_wait3A_45 = tpu.memref_slice %arg2[%add3A, %dma_wait3A_43, %dma_wait3A_44] : memref<32x80x128xi32, #tpu.memory_space<hbm>> -> memref<1x40x128xi32, #tpu.memory_space<hbm>>
      %dma_wait3A_46 = tpu.memref_squeeze %dma_wait3A_45 : memref<1x40x128xi32, #tpu.memory_space<hbm>> -> memref<40x128xi32, #tpu.memory_space<hbm>>
      %dma_wait3A_47 = arith.constant 0 : i32
      %dma_wait3A_48 = arith.constant 0 : i32
      %dma_wait3A_49 = tpu.memref_slice %arg2[%add3A, %dma_wait3A_47, %dma_wait3A_48] : memref<32x80x128xi32, #tpu.memory_space<hbm>> -> memref<1x40x128xi32, #tpu.memory_space<hbm>>
      %dma_wait3A_50 = tpu.memref_squeeze %dma_wait3A_49 : memref<1x40x128xi32, #tpu.memory_space<hbm>> -> memref<40x128xi32, #tpu.memory_space<hbm>>
      tpu.wait_dma2 semaphore(%run_scoped3A : memref<!tpu.dma_semaphore, #tpu.memory_space<semaphore_mem>>) src(%dma_wait3A_50 : memref<40x128xi32, #tpu.memory_space<hbm>>) dst(%arg6 : memref<40x128xi32, #tpu.memory_space<vmem>>)
      tpu.yield
    }) : () -> ()
    "tpu.region"() ({
      %run_scoped3A = tpu.sem_alloc : memref<!tpu.dma_semaphore, #tpu.memory_space<semaphore_mem>>
      %dma_start3A_35 = arith.constant 0 : i32
      %dma_start3A_36 = arith.constant 0 : i32
      %dma_start3A_37 = tpu.memref_slice %arg3[%add3A, %dma_start3A_35, %dma_start3A_36] : memref<32x80x128xi32, #tpu.memory_space<hbm>> -> memref<1x40x128xi32, #tpu.memory_space<hbm>>
      %dma_start3A_38 = tpu.memref_squeeze %dma_start3A_37 : memref<1x40x128xi32, #tpu.memory_space<hbm>> -> memref<40x128xi32, #tpu.memory_space<hbm>>
      %dma_start3A_39 = arith.constant 0 : i32
      %dma_start3A_40 = arith.constant 0 : i32
      %dma_start3A_41 = tpu.memref_slice %arg3[%add3A, %dma_start3A_39, %dma_start3A_40] : memref<32x80x128xi32, #tpu.memory_space<hbm>> -> memref<1x40x128xi32, #tpu.memory_space<hbm>>
      %dma_start3A_42 = tpu.memref_squeeze %dma_start3A_41 : memref<1x40x128xi32, #tpu.memory_space<hbm>> -> memref<40x128xi32, #tpu.memory_space<hbm>>
      tpu.enqueue_dma source(%dma_start3A_42 : memref<40x128xi32, #tpu.memory_space<hbm>>) target(%arg7 : memref<40x128xi32, #tpu.memory_space<vmem>>) target_semaphore(%run_scoped3A : memref<!tpu.dma_semaphore, #tpu.memory_space<semaphore_mem>>)
      %dma_wait3A_43 = arith.constant 0 : i32
      %dma_wait3A_44 = arith.constant 0 : i32
      %dma_wait3A_45 = tpu.memref_slice %arg3[%add3A, %dma_wait3A_43, %dma_wait3A_44] : memref<32x80x128xi32, #tpu.memory_space<hbm>> -> memref<1x40x128xi32, #tpu.memory_space<hbm>>
      %dma_wait3A_46 = tpu.memref_squeeze %dma_wait3A_45 : memref<1x40x128xi32, #tpu.memory_space<hbm>> -> memref<40x128xi32, #tpu.memory_space<hbm>>
      %dma_wait3A_47 = arith.constant 0 : i32
      %dma_wait3A_48 = arith.constant 0 : i32
      %dma_wait3A_49 = tpu.memref_slice %arg3[%add3A, %dma_wait3A_47, %dma_wait3A_48] : memref<32x80x128xi32, #tpu.memory_space<hbm>> -> memref<1x40x128xi32, #tpu.memory_space<hbm>>
      %dma_wait3A_50 = tpu.memref_squeeze %dma_wait3A_49 : memref<1x40x128xi32, #tpu.memory_space<hbm>> -> memref<40x128xi32, #tpu.memory_space<hbm>>
      tpu.wait_dma2 semaphore(%run_scoped3A : memref<!tpu.dma_semaphore, #tpu.memory_space<semaphore_mem>>) src(%dma_wait3A_50 : memref<40x128xi32, #tpu.memory_space<hbm>>) dst(%arg7 : memref<40x128xi32, #tpu.memory_space<vmem>>)
      tpu.yield
    }) : () -> ()
    %dma_start3A_6 = arith.constant 0 : i32
    %dma_start3A_7 = arith.constant 0 : i32
    %dma_start3A_8 = tpu.memref_slice %arg6[%dma_start3A_6, %dma_start3A_7] : memref<40x128xi32, #tpu.memory_space<vmem>> -> memref<1x128xi32, #tpu.memory_space<vmem>>
    %dma_start3A_9 = tpu.memref_squeeze %dma_start3A_8 : memref<1x128xi32, #tpu.memory_space<vmem>> -> memref<128xi32, #tpu.memory_space<vmem>>
    %dma_start3A_10 = arith.constant 0 : i32
    %dma_start3A_11 = arith.constant 0 : i32
    %dma_start3A_12 = tpu.memref_slice %arg4[%dma_start3A_10, %dma_start3A_11] : memref<10240x128xf32, #tpu.memory_space<hbm>> -> memref<10240x128xf32, #tpu.memory_space<hbm>>
    tpu.enqueue_indirect_dma source(%dma_start3A_12 : memref<10240x128xf32, #tpu.memory_space<hbm>>) target(%arg8 : memref<128x128xf32, #tpu.memory_space<vmem>>) offsets(%dma_start3A_9 : memref<128xi32, #tpu.memory_space<vmem>>) semaphore(%arg11 : memref<!tpu.dma_semaphore, #tpu.memory_space<semaphore_mem>>)
    %dma_wait3A = arith.constant 0 : i32
    %dma_wait3A_13 = tpu.memref_slice %arg10[%mul3A_2, %dma_wait3A] : memref<10240x128xf32, #tpu.memory_space<vmem_shared>> -> memref<640x128xf32, #tpu.memory_space<vmem_shared>>
    %dma_wait3A_14 = arith.constant 0 : i32
    %dma_wait3A_15 = tpu.memref_slice %arg4[%mul3A_2, %dma_wait3A_14] : memref<10240x128xf32, #tpu.memory_space<hbm>> -> memref<640x128xf32, #tpu.memory_space<hbm>>
    tpu.wait_dma2 semaphore(%arg13 : memref<!tpu.dma_semaphore, #tpu.memory_space<semaphore_mem>>) src(%dma_wait3A_15 : memref<640x128xf32, #tpu.memory_space<hbm>>) dst(%dma_wait3A_13 : memref<640x128xf32, #tpu.memory_space<vmem_shared>>)
    %barrier3A = arith.constant 0 : index
    tpu.barrier barrier_id(%barrier3A)
    %scan3A = arith.constant 0 : i32
    %scan3A_16 = arith.constant 0 : i32
    %scan3A_17 = arith.constant 20 : i32
    %scan3A_18 = arith.addi %scan3A_16, %scan3A_17 : i32
    %scan3A_19 = arith.constant 1 : i32
    scf.for %scan3A_35 = %scan3A_16 to %scan3A_18 step %scan3A_19  : i32 {
      %mul3A_36 = arith.constant 2 : i32
      %mul3A_37 = arith.muli %mul3A_36, %scan3A_35 : i32
      %add3A_38 = arith.constant 1 : i32
      %add3A_39 = arith.addi %mul3A_37, %add3A_38 : i32
      %dma_start3A_40 = arith.constant 0 : i32
      %dma_start3A_41 = tpu.memref_slice %arg6[%add3A_39, %dma_start3A_40] : memref<40x128xi32, #tpu.memory_space<vmem>> -> memref<1x128xi32, #tpu.memory_space<vmem>>
      %dma_start3A_42 = tpu.memref_squeeze %dma_start3A_41 : memref<1x128xi32, #tpu.memory_space<vmem>> -> memref<128xi32, #tpu.memory_space<vmem>>
      %dma_start3A_43 = arith.constant 0 : i32
      %dma_start3A_44 = arith.constant 0 : i32
      %dma_start3A_45 = tpu.memref_slice %arg4[%dma_start3A_43, %dma_start3A_44] : memref<10240x128xf32, #tpu.memory_space<hbm>> -> memref<10240x128xf32, #tpu.memory_space<hbm>>
      tpu.enqueue_indirect_dma source(%dma_start3A_45 : memref<10240x128xf32, #tpu.memory_space<hbm>>) target(%arg9 : memref<128x128xf32, #tpu.memory_space<vmem>>) offsets(%dma_start3A_42 : memref<128xi32, #tpu.memory_space<vmem>>) semaphore(%arg12 : memref<!tpu.dma_semaphore, #tpu.memory_space<semaphore_mem>>)
      %dma_wait3A_46 = arith.constant 0 : i32
      %dma_wait3A_47 = tpu.memref_slice %arg6[%mul3A_37, %dma_wait3A_46] : memref<40x128xi32, #tpu.memory_space<vmem>> -> memref<1x128xi32, #tpu.memory_space<vmem>>
      %dma_wait3A_48 = tpu.memref_squeeze %dma_wait3A_47 : memref<1x128xi32, #tpu.memory_space<vmem>> -> memref<128xi32, #tpu.memory_space<vmem>>
      %dma_wait3A_49 = arith.constant 0 : i32
      %dma_wait3A_50 = arith.constant 0 : i32
      %dma_wait3A_51 = tpu.memref_slice %arg4[%dma_wait3A_49, %dma_wait3A_50] : memref<10240x128xf32, #tpu.memory_space<hbm>> -> memref<10240x128xf32, #tpu.memory_space<hbm>>
      tpu.wait_indirect_dma semaphore(%arg11 : memref<!tpu.dma_semaphore, #tpu.memory_space<semaphore_mem>>) src(%dma_wait3A_51 : memref<10240x128xf32, #tpu.memory_space<hbm>>) dst(%arg8 : memref<128x128xf32, #tpu.memory_space<vmem>>)
      "tpu.region"() ({
        %run_scoped3A = tpu.sem_alloc : memref<!tpu.dma_semaphore, #tpu.memory_space<semaphore_mem>>
        %dma_start3A_64 = arith.constant 0 : i32
        %dma_start3A_65 = tpu.memref_slice %arg7[%mul3A_37, %dma_start3A_64] : memref<40x128xi32, #tpu.memory_space<vmem>> -> memref<1x128xi32, #tpu.memory_space<vmem>>
        %dma_start3A_66 = tpu.memref_squeeze %dma_start3A_65 : memref<1x128xi32, #tpu.memory_space<vmem>> -> memref<128xi32, #tpu.memory_space<vmem>>
        %dma_start3A_67 = arith.constant 0 : i32
        %dma_start3A_68 = arith.constant 0 : i32
        %dma_start3A_69 = tpu.memref_slice %arg10[%dma_start3A_67, %dma_start3A_68] : memref<10240x128xf32, #tpu.memory_space<vmem_shared>> -> memref<10240x128xf32, #tpu.memory_space<vmem_shared>>
        tpu.enqueue_indirect_dma source(%arg8 : memref<128x128xf32, #tpu.memory_space<vmem>>) target(%dma_start3A_69 : memref<10240x128xf32, #tpu.memory_space<vmem_shared>>) offsets(%dma_start3A_66 : memref<128xi32, #tpu.memory_space<vmem>>) semaphore(%run_scoped3A : memref<!tpu.dma_semaphore, #tpu.memory_space<semaphore_mem>>) {add = true}
        %dma_wait3A_70 = arith.constant 0 : i32
        %dma_wait3A_71 = tpu.memref_slice %arg7[%mul3A_37, %dma_wait3A_70] : memref<40x128xi32, #tpu.memory_space<vmem>> -> memref<1x128xi32, #tpu.memory_space<vmem>>
        %dma_wait3A_72 = tpu.memref_squeeze %dma_wait3A_71 : memref<1x128xi32, #tpu.memory_space<vmem>> -> memref<128xi32, #tpu.memory_space<vmem>>
        %dma_wait3A_73 = arith.constant 0 : i32
        %dma_wait3A_74 = arith.constant 0 : i32
        %dma_wait3A_75 = tpu.memref_slice %arg10[%dma_wait3A_73, %dma_wait3A_74] : memref<10240x128xf32, #tpu.memory_space<vmem_shared>> -> memref<10240x128xf32, #tpu.memory_space<vmem_shared>>
        tpu.wait_indirect_dma semaphore(%run_scoped3A : memref<!tpu.dma_semaphore, #tpu.memory_space<semaphore_mem>>) src(%arg8 : memref<128x128xf32, #tpu.memory_space<vmem>>) dst(%dma_wait3A_75 : memref<10240x128xf32, #tpu.memory_space<vmem_shared>>)
        tpu.yield
      }) : () -> ()
      %lt3A = arith.constant 19 : i32
      %lt3A_52 = arith.cmpi slt, %scan3A_35, %lt3A : i32
      %convert_element_type3A = arith.extui %lt3A_52 : i1 to i32
      %cond3A = arith.constant 0 : i32
      %cond3A_53 = arith.cmpi ne, %convert_element_type3A, %cond3A : i32
      scf.if %cond3A_53 {
        %add3A_64 = arith.constant 2 : i32
        %add3A_65 = arith.addi %mul3A_37, %add3A_64 : i32
        %dma_start3A_66 = arith.constant 0 : i32
        %dma_start3A_67 = tpu.memref_slice %arg6[%add3A_65, %dma_start3A_66] : memref<40x128xi32, #tpu.memory_space<vmem>> -> memref<1x128xi32, #tpu.memory_space<vmem>>
        %dma_start3A_68 = tpu.memref_squeeze %dma_start3A_67 : memref<1x128xi32, #tpu.memory_space<vmem>> -> memref<128xi32, #tpu.memory_space<vmem>>
        %dma_start3A_69 = arith.constant 0 : i32
        %dma_start3A_70 = arith.constant 0 : i32
        %dma_start3A_71 = tpu.memref_slice %arg4[%dma_start3A_69, %dma_start3A_70] : memref<10240x128xf32, #tpu.memory_space<hbm>> -> memref<10240x128xf32, #tpu.memory_space<hbm>>
        tpu.enqueue_indirect_dma source(%dma_start3A_71 : memref<10240x128xf32, #tpu.memory_space<hbm>>) target(%arg8 : memref<128x128xf32, #tpu.memory_space<vmem>>) offsets(%dma_start3A_68 : memref<128xi32, #tpu.memory_space<vmem>>) semaphore(%arg11 : memref<!tpu.dma_semaphore, #tpu.memory_space<semaphore_mem>>)
      } else {
      }
      %add3A_54 = arith.constant 1 : i32
      %add3A_55 = arith.addi %mul3A_37, %add3A_54 : i32
      %dma_wait3A_56 = arith.constant 0 : i32
      %dma_wait3A_57 = tpu.memref_slice %arg6[%add3A_55, %dma_wait3A_56] : memref<40x128xi32, #tpu.memory_space<vmem>> -> memref<1x128xi32, #tpu.memory_space<vmem>>
      %dma_wait3A_58 = tpu.memref_squeeze %dma_wait3A_57 : memref<1x128xi32, #tpu.memory_space<vmem>> -> memref<128xi32, #tpu.memory_space<vmem>>
      %dma_wait3A_59 = arith.constant 0 : i32
      %dma_wait3A_60 = arith.constant 0 : i32
      %dma_wait3A_61 = tpu.memref_slice %arg4[%dma_wait3A_59, %dma_wait3A_60] : memref<10240x128xf32, #tpu.memory_space<hbm>> -> memref<10240x128xf32, #tpu.memory_space<hbm>>
      tpu.wait_indirect_dma semaphore(%arg12 : memref<!tpu.dma_semaphore, #tpu.memory_space<semaphore_mem>>) src(%dma_wait3A_61 : memref<10240x128xf32, #tpu.memory_space<hbm>>) dst(%arg9 : memref<128x128xf32, #tpu.memory_space<vmem>>)
      %add3A_62 = arith.constant 1 : i32
      %add3A_63 = arith.addi %mul3A_37, %add3A_62 : i32
      "tpu.region"() ({
        %run_scoped3A = tpu.sem_alloc : memref<!tpu.dma_semaphore, #tpu.memory_space<semaphore_mem>>
        %dma_start3A_64 = arith.constant 0 : i32
        %dma_start3A_65 = tpu.memref_slice %arg7[%add3A_63, %dma_start3A_64] : memref<40x128xi32, #tpu.memory_space<vmem>> -> memref<1x128xi32, #tpu.memory_space<vmem>>
        %dma_start3A_66 = tpu.memref_squeeze %dma_start3A_65 : memref<1x128xi32, #tpu.memory_space<vmem>> -> memref<128xi32, #tpu.memory_space<vmem>>
        %dma_start3A_67 = arith.constant 0 : i32
        %dma_start3A_68 = arith.constant 0 : i32
        %dma_start3A_69 = tpu.memref_slice %arg10[%dma_start3A_67, %dma_start3A_68] : memref<10240x128xf32, #tpu.memory_space<vmem_shared>> -> memref<10240x128xf32, #tpu.memory_space<vmem_shared>>
        tpu.enqueue_indirect_dma source(%arg9 : memref<128x128xf32, #tpu.memory_space<vmem>>) target(%dma_start3A_69 : memref<10240x128xf32, #tpu.memory_space<vmem_shared>>) offsets(%dma_start3A_66 : memref<128xi32, #tpu.memory_space<vmem>>) semaphore(%run_scoped3A : memref<!tpu.dma_semaphore, #tpu.memory_space<semaphore_mem>>) {add = true}
        %dma_wait3A_70 = arith.constant 0 : i32
        %dma_wait3A_71 = tpu.memref_slice %arg7[%add3A_63, %dma_wait3A_70] : memref<40x128xi32, #tpu.memory_space<vmem>> -> memref<1x128xi32, #tpu.memory_space<vmem>>
        %dma_wait3A_72 = tpu.memref_squeeze %dma_wait3A_71 : memref<1x128xi32, #tpu.memory_space<vmem>> -> memref<128xi32, #tpu.memory_space<vmem>>
        %dma_wait3A_73 = arith.constant 0 : i32
        %dma_wait3A_74 = arith.constant 0 : i32
        %dma_wait3A_75 = tpu.memref_slice %arg10[%dma_wait3A_73, %dma_wait3A_74] : memref<10240x128xf32, #tpu.memory_space<vmem_shared>> -> memref<10240x128xf32, #tpu.memory_space<vmem_shared>>
        tpu.wait_indirect_dma semaphore(%run_scoped3A : memref<!tpu.dma_semaphore, #tpu.memory_space<semaphore_mem>>) src(%arg9 : memref<128x128xf32, #tpu.memory_space<vmem>>) dst(%dma_wait3A_75 : memref<10240x128xf32, #tpu.memory_space<vmem_shared>>)
        tpu.yield
      }) : () -> ()
    }
    %scan3A_20 = arith.constant 20 : i32
    "tpu.region"() ({
      %run_scoped3A = tpu.sem_alloc : memref<!tpu.dma_semaphore, #tpu.memory_space<semaphore_mem>>
      %dma_start3A_35 = arith.constant 40 : i32
      %dma_start3A_36 = arith.constant 0 : i32
      %dma_start3A_37 = tpu.memref_slice %arg2[%add3A, %dma_start3A_35, %dma_start3A_36] : memref<32x80x128xi32, #tpu.memory_space<hbm>> -> memref<1x40x128xi32, #tpu.memory_space<hbm>>
      %dma_start3A_38 = tpu.memref_squeeze %dma_start3A_37 : memref<1x40x128xi32, #tpu.memory_space<hbm>> -> memref<40x128xi32, #tpu.memory_space<hbm>>
      %dma_start3A_39 = arith.constant 40 : i32
      %dma_start3A_40 = arith.constant 0 : i32
      %dma_start3A_41 = tpu.memref_slice %arg2[%add3A, %dma_start3A_39, %dma_start3A_40] : memref<32x80x128xi32, #tpu.memory_space<hbm>> -> memref<1x40x128xi32, #tpu.memory_space<hbm>>
      %dma_start3A_42 = tpu.memref_squeeze %dma_start3A_41 : memref<1x40x128xi32, #tpu.memory_space<hbm>> -> memref<40x128xi32, #tpu.memory_space<hbm>>
      tpu.enqueue_dma source(%dma_start3A_42 : memref<40x128xi32, #tpu.memory_space<hbm>>) target(%arg6 : memref<40x128xi32, #tpu.memory_space<vmem>>) target_semaphore(%run_scoped3A : memref<!tpu.dma_semaphore, #tpu.memory_space<semaphore_mem>>)
      %dma_wait3A_43 = arith.constant 40 : i32
      %dma_wait3A_44 = arith.constant 0 : i32
      %dma_wait3A_45 = tpu.memref_slice %arg2[%add3A, %dma_wait3A_43, %dma_wait3A_44] : memref<32x80x128xi32, #tpu.memory_space<hbm>> -> memref<1x40x128xi32, #tpu.memory_space<hbm>>
      %dma_wait3A_46 = tpu.memref_squeeze %dma_wait3A_45 : memref<1x40x128xi32, #tpu.memory_space<hbm>> -> memref<40x128xi32, #tpu.memory_space<hbm>>
      %dma_wait3A_47 = arith.constant 40 : i32
      %dma_wait3A_48 = arith.constant 0 : i32
      %dma_wait3A_49 = tpu.memref_slice %arg2[%add3A, %dma_wait3A_47, %dma_wait3A_48] : memref<32x80x128xi32, #tpu.memory_space<hbm>> -> memref<1x40x128xi32, #tpu.memory_space<hbm>>
      %dma_wait3A_50 = tpu.memref_squeeze %dma_wait3A_49 : memref<1x40x128xi32, #tpu.memory_space<hbm>> -> memref<40x128xi32, #tpu.memory_space<hbm>>
      tpu.wait_dma2 semaphore(%run_scoped3A : memref<!tpu.dma_semaphore, #tpu.memory_space<semaphore_mem>>) src(%dma_wait3A_50 : memref<40x128xi32, #tpu.memory_space<hbm>>) dst(%arg6 : memref<40x128xi32, #tpu.memory_space<vmem>>)
      tpu.yield
    }) : () -> ()
    "tpu.region"() ({
      %run_scoped3A = tpu.sem_alloc : memref<!tpu.dma_semaphore, #tpu.memory_space<semaphore_mem>>
      %dma_start3A_35 = arith.constant 40 : i32
      %dma_start3A_36 = arith.constant 0 : i32
      %dma_start3A_37 = tpu.memref_slice %arg3[%add3A, %dma_start3A_35, %dma_start3A_36] : memref<32x80x128xi32, #tpu.memory_space<hbm>> -> memref<1x40x128xi32, #tpu.memory_space<hbm>>
      %dma_start3A_38 = tpu.memref_squeeze %dma_start3A_37 : memref<1x40x128xi32, #tpu.memory_space<hbm>> -> memref<40x128xi32, #tpu.memory_space<hbm>>
      %dma_start3A_39 = arith.constant 40 : i32
      %dma_start3A_40 = arith.constant 0 : i32
      %dma_start3A_41 = tpu.memref_slice %arg3[%add3A, %dma_start3A_39, %dma_start3A_40] : memref<32x80x128xi32, #tpu.memory_space<hbm>> -> memref<1x40x128xi32, #tpu.memory_space<hbm>>
      %dma_start3A_42 = tpu.memref_squeeze %dma_start3A_41 : memref<1x40x128xi32, #tpu.memory_space<hbm>> -> memref<40x128xi32, #tpu.memory_space<hbm>>
      tpu.enqueue_dma source(%dma_start3A_42 : memref<40x128xi32, #tpu.memory_space<hbm>>) target(%arg7 : memref<40x128xi32, #tpu.memory_space<vmem>>) target_semaphore(%run_scoped3A : memref<!tpu.dma_semaphore, #tpu.memory_space<semaphore_mem>>)
      %dma_wait3A_43 = arith.constant 40 : i32
      %dma_wait3A_44 = arith.constant 0 : i32
      %dma_wait3A_45 = tpu.memref_slice %arg3[%add3A, %dma_wait3A_43, %dma_wait3A_44] : memref<32x80x128xi32, #tpu.memory_space<hbm>> -> memref<1x40x128xi32, #tpu.memory_space<hbm>>
      %dma_wait3A_46 = tpu.memref_squeeze %dma_wait3A_45 : memref<1x40x128xi32, #tpu.memory_space<hbm>> -> memref<40x128xi32, #tpu.memory_space<hbm>>
      %dma_wait3A_47 = arith.constant 40 : i32
      %dma_wait3A_48 = arith.constant 0 : i32
      %dma_wait3A_49 = tpu.memref_slice %arg3[%add3A, %dma_wait3A_47, %dma_wait3A_48] : memref<32x80x128xi32, #tpu.memory_space<hbm>> -> memref<1x40x128xi32, #tpu.memory_space<hbm>>
      %dma_wait3A_50 = tpu.memref_squeeze %dma_wait3A_49 : memref<1x40x128xi32, #tpu.memory_space<hbm>> -> memref<40x128xi32, #tpu.memory_space<hbm>>
      tpu.wait_dma2 semaphore(%run_scoped3A : memref<!tpu.dma_semaphore, #tpu.memory_space<semaphore_mem>>) src(%dma_wait3A_50 : memref<40x128xi32, #tpu.memory_space<hbm>>) dst(%arg7 : memref<40x128xi32, #tpu.memory_space<vmem>>)
      tpu.yield
    }) : () -> ()
    %dma_start3A_21 = arith.constant 0 : i32
    %dma_start3A_22 = arith.constant 0 : i32
    %dma_start3A_23 = tpu.memref_slice %arg6[%dma_start3A_21, %dma_start3A_22] : memref<40x128xi32, #tpu.memory_space<vmem>> -> memref<1x128xi32, #tpu.memory_space<vmem>>
    %dma_start3A_24 = tpu.memref_squeeze %dma_start3A_23 : memref<1x128xi32, #tpu.memory_space<vmem>> -> memref<128xi32, #tpu.memory_space<vmem>>
    %dma_start3A_25 = arith.constant 0 : i32
    %dma_start3A_26 = arith.constant 0 : i32
    %dma_start3A_27 = tpu.memref_slice %arg4[%dma_start3A_25, %dma_start3A_26] : memref<10240x128xf32, #tpu.memory_space<hbm>> -> memref<10240x128xf32, #tpu.memory_space<hbm>>
    tpu.enqueue_indirect_dma source(%dma_start3A_27 : memref<10240x128xf32, #tpu.memory_space<hbm>>) target(%arg8 : memref<128x128xf32, #tpu.memory_space<vmem>>) offsets(%dma_start3A_24 : memref<128xi32, #tpu.memory_space<vmem>>) semaphore(%arg11 : memref<!tpu.dma_semaphore, #tpu.memory_space<semaphore_mem>>)
    %scan3A_28 = arith.constant 0 : i32
    %scan3A_29 = arith.constant 0 : i32
    %scan3A_30 = arith.constant 20 : i32
    %scan3A_31 = arith.addi %scan3A_29, %scan3A_30 : i32
    %scan3A_32 = arith.constant 1 : i32
    scf.for %scan3A_35 = %scan3A_29 to %scan3A_31 step %scan3A_32  : i32 {
      %mul3A_36 = arith.constant 2 : i32
      %mul3A_37 = arith.muli %mul3A_36, %scan3A_35 : i32
      %add3A_38 = arith.constant 1 : i32
      %add3A_39 = arith.addi %mul3A_37, %add3A_38 : i32
      %dma_start3A_40 = arith.constant 0 : i32
      %dma_start3A_41 = tpu.memref_slice %arg6[%add3A_39, %dma_start3A_40] : memref<40x128xi32, #tpu.memory_space<vmem>> -> memref<1x128xi32, #tpu.memory_space<vmem>>
      %dma_start3A_42 = tpu.memref_squeeze %dma_start3A_41 : memref<1x128xi32, #tpu.memory_space<vmem>> -> memref<128xi32, #tpu.memory_space<vmem>>
      %dma_start3A_43 = arith.constant 0 : i32
      %dma_start3A_44 = arith.constant 0 : i32
      %dma_start3A_45 = tpu.memref_slice %arg4[%dma_start3A_43, %dma_start3A_44] : memref<10240x128xf32, #tpu.memory_space<hbm>> -> memref<10240x128xf32, #tpu.memory_space<hbm>>
      tpu.enqueue_indirect_dma source(%dma_start3A_45 : memref<10240x128xf32, #tpu.memory_space<hbm>>) target(%arg9 : memref<128x128xf32, #tpu.memory_space<vmem>>) offsets(%dma_start3A_42 : memref<128xi32, #tpu.memory_space<vmem>>) semaphore(%arg12 : memref<!tpu.dma_semaphore, #tpu.memory_space<semaphore_mem>>)
      %dma_wait3A_46 = arith.constant 0 : i32
      %dma_wait3A_47 = tpu.memref_slice %arg6[%mul3A_37, %dma_wait3A_46] : memref<40x128xi32, #tpu.memory_space<vmem>> -> memref<1x128xi32, #tpu.memory_space<vmem>>
      %dma_wait3A_48 = tpu.memref_squeeze %dma_wait3A_47 : memref<1x128xi32, #tpu.memory_space<vmem>> -> memref<128xi32, #tpu.memory_space<vmem>>
      %dma_wait3A_49 = arith.constant 0 : i32
      %dma_wait3A_50 = arith.constant 0 : i32
      %dma_wait3A_51 = tpu.memref_slice %arg4[%dma_wait3A_49, %dma_wait3A_50] : memref<10240x128xf32, #tpu.memory_space<hbm>> -> memref<10240x128xf32, #tpu.memory_space<hbm>>
      tpu.wait_indirect_dma semaphore(%arg11 : memref<!tpu.dma_semaphore, #tpu.memory_space<semaphore_mem>>) src(%dma_wait3A_51 : memref<10240x128xf32, #tpu.memory_space<hbm>>) dst(%arg8 : memref<128x128xf32, #tpu.memory_space<vmem>>)
      "tpu.region"() ({
        %run_scoped3A = tpu.sem_alloc : memref<!tpu.dma_semaphore, #tpu.memory_space<semaphore_mem>>
        %dma_start3A_64 = arith.constant 0 : i32
        %dma_start3A_65 = tpu.memref_slice %arg7[%mul3A_37, %dma_start3A_64] : memref<40x128xi32, #tpu.memory_space<vmem>> -> memref<1x128xi32, #tpu.memory_space<vmem>>
        %dma_start3A_66 = tpu.memref_squeeze %dma_start3A_65 : memref<1x128xi32, #tpu.memory_space<vmem>> -> memref<128xi32, #tpu.memory_space<vmem>>
        %dma_start3A_67 = arith.constant 0 : i32
        %dma_start3A_68 = arith.constant 0 : i32
        %dma_start3A_69 = tpu.memref_slice %arg10[%dma_start3A_67, %dma_start3A_68] : memref<10240x128xf32, #tpu.memory_space<vmem_shared>> -> memref<10240x128xf32, #tpu.memory_space<vmem_shared>>
        tpu.enqueue_indirect_dma source(%arg8 : memref<128x128xf32, #tpu.memory_space<vmem>>) target(%dma_start3A_69 : memref<10240x128xf32, #tpu.memory_space<vmem_shared>>) offsets(%dma_start3A_66 : memref<128xi32, #tpu.memory_space<vmem>>) semaphore(%run_scoped3A : memref<!tpu.dma_semaphore, #tpu.memory_space<semaphore_mem>>) {add = true}
        %dma_wait3A_70 = arith.constant 0 : i32
        %dma_wait3A_71 = tpu.memref_slice %arg7[%mul3A_37, %dma_wait3A_70] : memref<40x128xi32, #tpu.memory_space<vmem>> -> memref<1x128xi32, #tpu.memory_space<vmem>>
        %dma_wait3A_72 = tpu.memref_squeeze %dma_wait3A_71 : memref<1x128xi32, #tpu.memory_space<vmem>> -> memref<128xi32, #tpu.memory_space<vmem>>
        %dma_wait3A_73 = arith.constant 0 : i32
        %dma_wait3A_74 = arith.constant 0 : i32
        %dma_wait3A_75 = tpu.memref_slice %arg10[%dma_wait3A_73, %dma_wait3A_74] : memref<10240x128xf32, #tpu.memory_space<vmem_shared>> -> memref<10240x128xf32, #tpu.memory_space<vmem_shared>>
        tpu.wait_indirect_dma semaphore(%run_scoped3A : memref<!tpu.dma_semaphore, #tpu.memory_space<semaphore_mem>>) src(%arg8 : memref<128x128xf32, #tpu.memory_space<vmem>>) dst(%dma_wait3A_75 : memref<10240x128xf32, #tpu.memory_space<vmem_shared>>)
        tpu.yield
      }) : () -> ()
      %lt3A = arith.constant 19 : i32
      %lt3A_52 = arith.cmpi slt, %scan3A_35, %lt3A : i32
      %convert_element_type3A = arith.extui %lt3A_52 : i1 to i32
      %cond3A = arith.constant 0 : i32
      %cond3A_53 = arith.cmpi ne, %convert_element_type3A, %cond3A : i32
      scf.if %cond3A_53 {
        %add3A_64 = arith.constant 2 : i32
        %add3A_65 = arith.addi %mul3A_37, %add3A_64 : i32
        %dma_start3A_66 = arith.constant 0 : i32
        %dma_start3A_67 = tpu.memref_slice %arg6[%add3A_65, %dma_start3A_66] : memref<40x128xi32, #tpu.memory_space<vmem>> -> memref<1x128xi32, #tpu.memory_space<vmem>>
        %dma_start3A_68 = tpu.memref_squeeze %dma_start3A_67 : memref<1x128xi32, #tpu.memory_space<vmem>> -> memref<128xi32, #tpu.memory_space<vmem>>
        %dma_start3A_69 = arith.constant 0 : i32
        %dma_start3A_70 = arith.constant 0 : i32
        %dma_start3A_71 = tpu.memref_slice %arg4[%dma_start3A_69, %dma_start3A_70] : memref<10240x128xf32, #tpu.memory_space<hbm>> -> memref<10240x128xf32, #tpu.memory_space<hbm>>
        tpu.enqueue_indirect_dma source(%dma_start3A_71 : memref<10240x128xf32, #tpu.memory_space<hbm>>) target(%arg8 : memref<128x128xf32, #tpu.memory_space<vmem>>) offsets(%dma_start3A_68 : memref<128xi32, #tpu.memory_space<vmem>>) semaphore(%arg11 : memref<!tpu.dma_semaphore, #tpu.memory_space<semaphore_mem>>)
      } else {
      }
      %add3A_54 = arith.constant 1 : i32
      %add3A_55 = arith.addi %mul3A_37, %add3A_54 : i32
      %dma_wait3A_56 = arith.constant 0 : i32
      %dma_wait3A_57 = tpu.memref_slice %arg6[%add3A_55, %dma_wait3A_56] : memref<40x128xi32, #tpu.memory_space<vmem>> -> memref<1x128xi32, #tpu.memory_space<vmem>>
      %dma_wait3A_58 = tpu.memref_squeeze %dma_wait3A_57 : memref<1x128xi32, #tpu.memory_space<vmem>> -> memref<128xi32, #tpu.memory_space<vmem>>
      %dma_wait3A_59 = arith.constant 0 : i32
      %dma_wait3A_60 = arith.constant 0 : i32
      %dma_wait3A_61 = tpu.memref_slice %arg4[%dma_wait3A_59, %dma_wait3A_60] : memref<10240x128xf32, #tpu.memory_space<hbm>> -> memref<10240x128xf32, #tpu.memory_space<hbm>>
      tpu.wait_indirect_dma semaphore(%arg12 : memref<!tpu.dma_semaphore, #tpu.memory_space<semaphore_mem>>) src(%dma_wait3A_61 : memref<10240x128xf32, #tpu.memory_space<hbm>>) dst(%arg9 : memref<128x128xf32, #tpu.memory_space<vmem>>)
      %add3A_62 = arith.constant 1 : i32
      %add3A_63 = arith.addi %mul3A_37, %add3A_62 : i32
      "tpu.region"() ({
        %run_scoped3A = tpu.sem_alloc : memref<!tpu.dma_semaphore, #tpu.memory_space<semaphore_mem>>
        %dma_start3A_64 = arith.constant 0 : i32
        %dma_start3A_65 = tpu.memref_slice %arg7[%add3A_63, %dma_start3A_64] : memref<40x128xi32, #tpu.memory_space<vmem>> -> memref<1x128xi32, #tpu.memory_space<vmem>>
        %dma_start3A_66 = tpu.memref_squeeze %dma_start3A_65 : memref<1x128xi32, #tpu.memory_space<vmem>> -> memref<128xi32, #tpu.memory_space<vmem>>
        %dma_start3A_67 = arith.constant 0 : i32
        %dma_start3A_68 = arith.constant 0 : i32
        %dma_start3A_69 = tpu.memref_slice %arg10[%dma_start3A_67, %dma_start3A_68] : memref<10240x128xf32, #tpu.memory_space<vmem_shared>> -> memref<10240x128xf32, #tpu.memory_space<vmem_shared>>
        tpu.enqueue_indirect_dma source(%arg9 : memref<128x128xf32, #tpu.memory_space<vmem>>) target(%dma_start3A_69 : memref<10240x128xf32, #tpu.memory_space<vmem_shared>>) offsets(%dma_start3A_66 : memref<128xi32, #tpu.memory_space<vmem>>) semaphore(%run_scoped3A : memref<!tpu.dma_semaphore, #tpu.memory_space<semaphore_mem>>) {add = true}
        %dma_wait3A_70 = arith.constant 0 : i32
        %dma_wait3A_71 = tpu.memref_slice %arg7[%add3A_63, %dma_wait3A_70] : memref<40x128xi32, #tpu.memory_space<vmem>> -> memref<1x128xi32, #tpu.memory_space<vmem>>
        %dma_wait3A_72 = tpu.memref_squeeze %dma_wait3A_71 : memref<1x128xi32, #tpu.memory_space<vmem>> -> memref<128xi32, #tpu.memory_space<vmem>>
        %dma_wait3A_73 = arith.constant 0 : i32
        %dma_wait3A_74 = arith.constant 0 : i32
        %dma_wait3A_75 = tpu.memref_slice %arg10[%dma_wait3A_73, %dma_wait3A_74] : memref<10240x128xf32, #tpu.memory_space<vmem_shared>> -> memref<10240x128xf32, #tpu.memory_space<vmem_shared>>
        tpu.wait_indirect_dma semaphore(%run_scoped3A : memref<!tpu.dma_semaphore, #tpu.memory_space<semaphore_mem>>) src(%arg9 : memref<128x128xf32, #tpu.memory_space<vmem>>) dst(%dma_wait3A_75 : memref<10240x128xf32, #tpu.memory_space<vmem_shared>>)
        tpu.yield
      }) : () -> ()
    }
    %scan3A_33 = arith.constant 20 : i32
    %barrier3A_34 = arith.constant 0 : index
    tpu.barrier barrier_id(%barrier3A_34)
    "tpu.region"() ({
      %run_scoped3A = tpu.sem_alloc : memref<!tpu.dma_semaphore, #tpu.memory_space<semaphore_mem>>
      %dma_start3A_35 = arith.constant 0 : i32
      %dma_start3A_36 = tpu.memref_slice %arg5[%arg0, %mul3A_2, %dma_start3A_35] : memref<2x10240x128xf32, #tpu.memory_space<hbm>> -> memref<1x640x128xf32, #tpu.memory_space<hbm>>
      %dma_start3A_37 = tpu.memref_squeeze %dma_start3A_36 : memref<1x640x128xf32, #tpu.memory_space<hbm>> -> memref<640x128xf32, #tpu.memory_space<hbm>>
      %dma_start3A_38 = arith.constant 0 : i32
      %dma_start3A_39 = tpu.memref_slice %arg10[%mul3A_2, %dma_start3A_38] : memref<10240x128xf32, #tpu.memory_space<vmem_shared>> -> memref<640x128xf32, #tpu.memory_space<vmem_shared>>
      tpu.enqueue_dma source(%dma_start3A_39 : memref<640x128xf32, #tpu.memory_space<vmem_shared>>) target(%dma_start3A_37 : memref<640x128xf32, #tpu.memory_space<hbm>>) target_semaphore(%run_scoped3A : memref<!tpu.dma_semaphore, #tpu.memory_space<semaphore_mem>>)
      %dma_wait3A_40 = arith.constant 0 : i32
      %dma_wait3A_41 = tpu.memref_slice %arg5[%arg0, %mul3A_2, %dma_wait3A_40] : memref<2x10240x128xf32, #tpu.memory_space<hbm>> -> memref<1x640x128xf32, #tpu.memory_space<hbm>>
      %dma_wait3A_42 = tpu.memref_squeeze %dma_wait3A_41 : memref<1x640x128xf32, #tpu.memory_space<hbm>> -> memref<640x128xf32, #tpu.memory_space<hbm>>
      %dma_wait3A_43 = arith.constant 0 : i32
      %dma_wait3A_44 = tpu.memref_slice %arg10[%mul3A_2, %dma_wait3A_43] : memref<10240x128xf32, #tpu.memory_space<vmem_shared>> -> memref<640x128xf32, #tpu.memory_space<vmem_shared>>
      tpu.wait_dma2 semaphore(%run_scoped3A : memref<!tpu.dma_semaphore, #tpu.memory_space<semaphore_mem>>) src(%dma_wait3A_44 : memref<640x128xf32, #tpu.memory_space<vmem_shared>>) dst(%dma_wait3A_42 : memref<640x128xf32, #tpu.memory_space<hbm>>)
      tpu.yield
    }) : () -> ()
    return
  }
}

module attributes {stable_mosaic.version = 14 : i64} {
  func.func @_dense_a_body(%arg0: memref<128x128xf32, #tpu.memory_space<vmem>>, %arg1: memref<10000x128xf32, #tpu.memory_space<vmem>>, %arg2: memref<10000x128xf32, #tpu.memory_space<vmem>>, %arg3: memref<128x128xf32, #tpu.memory_space<vmem>>, %arg4: memref<10000x128xf32, #tpu.memory_space<vmem>>, %arg5: memref<10000x128xf32, #tpu.memory_space<vmem>>) attributes {dimension_semantics = [], scalar_prefetch = 0 : i64, scratch_operands = 0 : i64, tpu.core_type = #tpu.core_type<tc>} {
    %get3A = arith.constant 0 : index
    %get3A_0 = arith.constant 0 : index
    %get3A_1 = vector.load %arg0[%get3A, %get3A_0] : memref<128x128xf32, #tpu.memory_space<vmem>>, vector<128x128xf32>
    %abs3A = math.absf %get3A_1 : vector<128x128xf32>
    %reduce_sum3A = arith.constant dense<0.000000e+00> : vector<128xf32>
    %reduce_sum3A_2 = vector.multi_reduction <add>, %abs3A, %reduce_sum3A [1] : vector<128x128xf32> to vector<128xf32>
    %broadcast_in_dim3A = vector.shape_cast %reduce_sum3A_2 : vector<128xf32> to vector<128x1xf32>
    %reduce_max3A = arith.constant dense<0xFF800000> : vector<128xf32>
    %reduce_max3A_3 = vector.multi_reduction <maximumf>, %abs3A, %reduce_max3A [1] : vector<128x128xf32> to vector<128xf32>
    %broadcast_in_dim3A_4 = vector.shape_cast %reduce_max3A_3 : vector<128xf32> to vector<128x1xf32>
    %broadcast_in_dim3A_5 = arith.constant 0.000000e+00 : f32
    %broadcast_in_dim3A_6 = vector.broadcast %broadcast_in_dim3A_5 : f32 to vector<128x1xf32>
    %scan3A = arith.constant 0 : i32
    %scan3A_7 = arith.constant 40 : i32
    %scan3A_8 = arith.addi %scan3A, %scan3A_7 : i32
    %scan3A_9 = arith.constant 1 : i32
    %scan3A_10:2 = scf.for %scan3A_51 = %scan3A to %scan3A_8 step %scan3A_9 iter_args(%scan3A_52 = %broadcast_in_dim3A_6, %scan3A_53 = %broadcast_in_dim3A_4) -> (vector<128x1xf32>, vector<128x1xf32>)  : i32 {
      %add3A_54 = arith.addf %scan3A_52, %scan3A_53 : vector<128x1xf32>
      %mul3A_55 = arith.constant 5.000000e-01 : f32
      %mul3A_56 = vector.broadcast %mul3A_55 : f32 to vector<128x1xf32>
      %mul3A_57 = arith.mulf %add3A_54, %mul3A_56 : vector<128x1xf32>
      %sub3A_58 = vector.broadcast %mul3A_57 : vector<128x1xf32> to vector<128x128xf32>
      %sub3A_59 = arith.subf %abs3A, %sub3A_58 : vector<128x128xf32>
      %max3A_60 = arith.constant 0.000000e+00 : f32
      %max3A_61 = vector.broadcast %max3A_60 : f32 to vector<128x128xf32>
      %max3A_62 = arith.maximumf %sub3A_59, %max3A_61 : vector<128x128xf32>
      %reduce_sum3A_63 = arith.constant dense<0.000000e+00> : vector<128xf32>
      %reduce_sum3A_64 = vector.multi_reduction <add>, %max3A_62, %reduce_sum3A_63 [1] : vector<128x128xf32> to vector<128xf32>
      %broadcast_in_dim3A_65 = vector.shape_cast %reduce_sum3A_64 : vector<128xf32> to vector<128x1xf32>
      %gt3A_66 = arith.constant 0.949999988 : f32
      %gt3A_67 = vector.broadcast %gt3A_66 : f32 to vector<128x1xf32>
      %gt3A_68 = arith.cmpf ogt, %broadcast_in_dim3A_65, %gt3A_67 : vector<128x1xf32>
      %select_n3A_69 = arith.select %gt3A_68, %mul3A_57, %scan3A_52 : vector<128x1xi1>, vector<128x1xf32>
      %select_n3A_70 = arith.select %gt3A_68, %scan3A_53, %mul3A_57 : vector<128x1xi1>, vector<128x1xf32>
      scf.yield %select_n3A_69, %select_n3A_70 : vector<128x1xf32>, vector<128x1xf32>
    }
    %add3A = arith.addf %scan3A_10#0, %scan3A_10#1 : vector<128x1xf32>
    %mul3A = arith.constant 5.000000e-01 : f32
    %mul3A_11 = vector.broadcast %mul3A : f32 to vector<128x1xf32>
    %mul3A_12 = arith.mulf %add3A, %mul3A_11 : vector<128x1xf32>
    %sign3A = tpu.bitcast %get3A_1 : vector<128x128xf32> -> vector<128x128xi32>
    %sign3A_13 = arith.constant -2147483648 : i32
    %sign3A_14 = vector.broadcast %sign3A_13 : i32 to vector<128x128xi32>
    %sign3A_15 = arith.andi %sign3A, %sign3A_14 : vector<128x128xi32>
    %sign3A_16 = arith.constant 1065353216 : i32
    %sign3A_17 = vector.broadcast %sign3A_16 : i32 to vector<128x128xi32>
    %sign3A_18 = arith.ori %sign3A_17, %sign3A_15 : vector<128x128xi32>
    %sign3A_19 = tpu.bitcast %sign3A_18 : vector<128x128xi32> -> vector<128x128xf32>
    %sign3A_20 = math.absf %get3A_1 : vector<128x128xf32>
    %sign3A_21 = arith.constant 0.000000e+00 : f32
    %sign3A_22 = vector.broadcast %sign3A_21 : f32 to vector<128x128xf32>
    %sign3A_23 = arith.cmpf ogt, %sign3A_20, %sign3A_22 : vector<128x128xf32>
    %sign3A_24 = arith.select %sign3A_23, %sign3A_19, %get3A_1 : vector<128x128xi1>, vector<128x128xf32>
    %sub3A = vector.broadcast %mul3A_12 : vector<128x1xf32> to vector<128x128xf32>
    %sub3A_25 = arith.subf %abs3A, %sub3A : vector<128x128xf32>
    %max3A = arith.constant 0.000000e+00 : f32
    %max3A_26 = vector.broadcast %max3A : f32 to vector<128x128xf32>
    %max3A_27 = arith.maximumf %sub3A_25, %max3A_26 : vector<128x128xf32>
    %mul3A_28 = arith.mulf %sign3A_24, %max3A_27 : vector<128x128xf32>
    %gt3A = arith.constant 0.949999988 : f32
    %gt3A_29 = vector.broadcast %gt3A : f32 to vector<128x1xf32>
    %gt3A_30 = arith.cmpf ogt, %broadcast_in_dim3A, %gt3A_29 : vector<128x1xf32>
    %broadcast_in_dim3A_31 = vector.shape_cast %gt3A_30 : vector<128x1xi1> to vector<128x1xi1>
    %broadcast_in_dim3A_32 = vector.broadcast %broadcast_in_dim3A_31 : vector<128x1xi1> to vector<128x128xi1>
    %select_n3A = arith.select %broadcast_in_dim3A_32, %mul3A_28, %get3A_1 : vector<128x128xi1>, vector<128x128xf32>
    %get3A_33 = arith.constant 0 : index
    %get3A_34 = arith.constant 0 : index
    %get3A_35 = vector.load %arg1[%get3A_33, %get3A_34] : memref<10000x128xf32, #tpu.memory_space<vmem>>, vector<10000x128xf32>
    %transpose3A = tpu.transpose %select_n3A, [1, 0] : vector<128x128xf32> -> vector<128x128xf32>
    %dot_general3A = arith.constant dense<0.000000e+00> : vector<10000x128xf32>
    %dot_general3A_36 = tpu.matmul %get3A_35, %transpose3A, %dot_general3A {dimension_numbers = #tpu.dot_dimension_numbers<[1], [0], [0], [1], [0, 0, 1, 1], [], []>, transpose_lhs_hint = false} : vector<10000x128xf32>, vector<128x128xf32>, vector<10000x128xf32> -> vector<10000x128xf32>
    %swap3A = arith.constant 0 : index
    %swap3A_37 = arith.constant 0 : index
    %swap3A_38 = vector.load %arg4[%swap3A, %swap3A_37] : memref<10000x128xf32, #tpu.memory_space<vmem>>, vector<10000x128xf32>
    tpu.vector_store %arg4[%swap3A, %swap3A_37], %dot_general3A_36 {strides = array<i32>} : memref<10000x128xf32, #tpu.memory_space<vmem>>, vector<10000x128xf32>,
    %get3A_39 = arith.constant 0 : index
    %get3A_40 = arith.constant 0 : index
    %get3A_41 = vector.load %arg2[%get3A_39, %get3A_40] : memref<10000x128xf32, #tpu.memory_space<vmem>>, vector<10000x128xf32>
    %get3A_42 = arith.constant 0 : index
    %get3A_43 = arith.constant 0 : index
    %get3A_44 = vector.load %arg3[%get3A_42, %get3A_43] : memref<128x128xf32, #tpu.memory_space<vmem>>, vector<128x128xf32>
    %transpose3A_45 = tpu.transpose %get3A_44, [1, 0] : vector<128x128xf32> -> vector<128x128xf32>
    %dot_general3A_46 = arith.constant dense<0.000000e+00> : vector<10000x128xf32>
    %dot_general3A_47 = tpu.matmul %get3A_41, %transpose3A_45, %dot_general3A_46 {dimension_numbers = #tpu.dot_dimension_numbers<[1], [0], [0], [1], [0, 0, 1, 1], [], []>, transpose_lhs_hint = false} : vector<10000x128xf32>, vector<128x128xf32>, vector<10000x128xf32> -> vector<10000x128xf32>
    %swap3A_48 = arith.constant 0 : index
    %swap3A_49 = arith.constant 0 : index
    %swap3A_50 = vector.load %arg5[%swap3A_48, %swap3A_49] : memref<10000x128xf32, #tpu.memory_space<vmem>>, vector<10000x128xf32>
    tpu.vector_store %arg5[%swap3A_48, %swap3A_49], %dot_general3A_47 {strides = array<i32>} : memref<10000x128xf32, #tpu.memory_space<vmem>>, vector<10000x128xf32>,
    return
  }
}

module attributes {stable_mosaic.version = 14 : i64} {
  func.func @_dense_b_body(%arg0: memref<10000x128xf32, #tpu.memory_space<vmem>>, %arg1: memref<2x10240xf32, #tpu.memory_space<vmem>>, %arg2: memref<10240x128xf32, #tpu.memory_space<vmem>>, %arg3: memref<10240x1xf32, #tpu.memory_space<vmem>>) attributes {dimension_semantics = [], scalar_prefetch = 0 : i64, scratch_operands = 0 : i64, tpu.core_type = #tpu.core_type<tc>} {
    %get3A = arith.constant 0 : index
    %get3A_0 = arith.constant 0 : index
    %get3A_1 = vector.load %arg1[%get3A, %get3A_0] : memref<2x10240xf32, #tpu.memory_space<vmem>>, vector<1x10240xf32>
    %get3A_2 = vector.shape_cast %get3A_1 : vector<1x10240xf32> to vector<10240xf32>
    %get3A_3 = arith.constant 1 : index
    %get3A_4 = arith.constant 0 : index
    %get3A_5 = vector.load %arg1[%get3A_3, %get3A_4] : memref<2x10240xf32, #tpu.memory_space<vmem>>, vector<1x10240xf32>
    %get3A_6 = vector.shape_cast %get3A_5 : vector<1x10240xf32> to vector<10240xf32>
    %add3A = arith.addf %get3A_2, %get3A_6 : vector<10240xf32>
    %add3A_7 = arith.constant 1.000000e+00 : f32
    %add3A_8 = vector.broadcast %add3A_7 : f32 to vector<10240xf32>
    %add3A_9 = arith.addf %add3A, %add3A_8 : vector<10240xf32>
    %rsqrt3A = math.rsqrt %add3A_9 : vector<10240xf32>
    %reshape3A = vector.shape_cast %rsqrt3A : vector<10240xf32> to vector<10240x1xf32>
    %swap3A = arith.constant 0 : index
    %swap3A_10 = arith.constant 0 : index
    %swap3A_11 = vector.load %arg3[%swap3A, %swap3A_10] : memref<10240x1xf32, #tpu.memory_space<vmem>>, vector<10240x1xf32>
    tpu.vector_store %arg3[%swap3A, %swap3A_10], %reshape3A {strides = array<i32>} : memref<10240x1xf32, #tpu.memory_space<vmem>>, vector<10240x1xf32>,
    %get3A_12 = arith.constant 0 : index
    %get3A_13 = arith.constant 0 : index
    %get3A_14 = vector.load %arg0[%get3A_12, %get3A_13] : memref<10000x128xf32, #tpu.memory_space<vmem>>, vector<10000x128xf32>
    %slice3A = vector.extract_strided_slice %reshape3A {offsets = [0, 0], sizes = [10000, 1], strides = [1, 1]} : vector<10240x1xf32> to vector<10000x1xf32>
    %mul3A = vector.broadcast %slice3A : vector<10000x1xf32> to vector<10000x128xf32>
    %mul3A_15 = arith.mulf %get3A_14, %mul3A : vector<10000x128xf32>
    %swap3A_16 = arith.constant 0 : index
    %swap3A_17 = arith.constant 0 : index
    %swap3A_18 = vector.load %arg2[%swap3A_16, %swap3A_17] : memref<10240x128xf32, #tpu.memory_space<vmem>>, vector<10000x128xf32>
    tpu.vector_store %arg2[%swap3A_16, %swap3A_17], %mul3A_15 {strides = array<i32>} : memref<10240x128xf32, #tpu.memory_space<vmem>>, vector<10000x128xf32>,
    %broadcast_in_dim3A = arith.constant 0.000000e+00 : f32
    %broadcast_in_dim3A_19 = vector.broadcast %broadcast_in_dim3A : f32 to vector<240x128xf32>
    %swap3A_20 = arith.constant 10000 : index
    %swap3A_21 = arith.constant 0 : index
    %swap3A_22 = vector.load %arg2[%swap3A_20, %swap3A_21] : memref<10240x128xf32, #tpu.memory_space<vmem>>, vector<240x128xf32>
    tpu.vector_store %arg2[%swap3A_20, %swap3A_21], %broadcast_in_dim3A_19 {strides = array<i32>} : memref<10240x128xf32, #tpu.memory_space<vmem>>, vector<240x128xf32>,
    return
  }
}

module attributes {stable_mosaic.version = 14 : i64} {
  func.func @_final_body(%arg0: i32, %arg1: memref<2x2000x128xf32, #tpu.memory_space<vmem>>, %arg2: memref<2000x128xf32, #tpu.memory_space<vmem>>, %arg3: memref<2000x1xf32, #tpu.memory_space<vmem>>, %arg4: memref<2000x128xf32, #tpu.memory_space<vmem>>, %arg5: memref<2000x128xf32, #tpu.memory_space<vmem>>) attributes {dimension_semantics = [#tpu.dimension_semantics<arbitrary>], iteration_bounds = array<i64: 5>, scalar_prefetch = 0 : i64, scratch_operands = 0 : i64, tpu.core_type = #tpu.core_type<tc>, window_params = [{transform_indices = @transform_0, window_bounds = array<i64: 2, 2000, 128>}, {transform_indices = @transform_1, window_bounds = array<i64: 2000, 128>}, {transform_indices = @transform_2, window_bounds = array<i64: 2000, 1>}, {transform_indices = @transform_3, window_bounds = array<i64: 2000, 128>}, {transform_indices = @transform_4, window_bounds = array<i64: 2000, 128>}]} {
    %get3A = arith.constant 0 : index
    %get3A_0 = arith.constant 0 : index
    %get3A_1 = arith.constant 0 : index
    %get3A_2 = vector.load %arg1[%get3A, %get3A_0, %get3A_1] : memref<2x2000x128xf32, #tpu.memory_space<vmem>>, vector<1x2000x128xf32>
    %get3A_3 = vector.shape_cast %get3A_2 : vector<1x2000x128xf32> to vector<2000x128xf32>
    %get3A_4 = arith.constant 1 : index
    %get3A_5 = arith.constant 0 : index
    %get3A_6 = arith.constant 0 : index
    %get3A_7 = vector.load %arg1[%get3A_4, %get3A_5, %get3A_6] : memref<2x2000x128xf32, #tpu.memory_space<vmem>>, vector<1x2000x128xf32>
    %get3A_8 = vector.shape_cast %get3A_7 : vector<1x2000x128xf32> to vector<2000x128xf32>
    %add3A = arith.addf %get3A_3, %get3A_8 : vector<2000x128xf32>
    %get3A_9 = arith.constant 0 : index
    %get3A_10 = arith.constant 0 : index
    %get3A_11 = vector.load %arg2[%get3A_9, %get3A_10] : memref<2000x128xf32, #tpu.memory_space<vmem>>, vector<2000x128xf32>
    %sub3A = arith.subf %add3A, %get3A_11 : vector<2000x128xf32>
    %get3A_12 = arith.constant 0 : index
    %get3A_13 = arith.constant 0 : index
    %get3A_14 = vector.load %arg3[%get3A_12, %get3A_13] : memref<2000x1xf32, #tpu.memory_space<vmem>>, vector<2000x1xf32>
    %mul3A = vector.broadcast %get3A_14 : vector<2000x1xf32> to vector<2000x128xf32>
    %mul3A_15 = arith.mulf %sub3A, %mul3A : vector<2000x128xf32>
    %get3A_16 = arith.constant 0 : index
    %get3A_17 = arith.constant 0 : index
    %get3A_18 = vector.load %arg4[%get3A_16, %get3A_17] : memref<2000x128xf32, #tpu.memory_space<vmem>>, vector<2000x128xf32>
    %add3A_19 = arith.addf %mul3A_15, %get3A_18 : vector<2000x128xf32>
    %max3A = arith.constant 0.000000e+00 : f32
    %max3A_20 = vector.broadcast %max3A : f32 to vector<2000x128xf32>
    %max3A_21 = arith.maximumf %add3A_19, %max3A_20 : vector<2000x128xf32>
    %swap3A = arith.constant 0 : index
    %swap3A_22 = arith.constant 0 : index
    %swap3A_23 = vector.load %arg5[%swap3A, %swap3A_22] : memref<2000x128xf32, #tpu.memory_space<vmem>>, vector<2000x128xf32>
    tpu.vector_store %arg5[%swap3A, %swap3A_22], %max3A_21 {strides = array<i32>} : memref<2000x128xf32, #tpu.memory_space<vmem>>, vector<2000x128xf32>,
    return
  }
  func.func @transform_0(%arg0: i32) -> (i32, i32, i32) {
    %c0_i32 = arith.constant 0 : i32
    %c0_i32_0 = arith.constant 0 : i32
    %c0_i32_1 = arith.constant 0 : i32
    return %c0_i32, %arg0, %c0_i32_0 : i32, i32, i32
  }
  func.func @transform_1(%arg0: i32) -> (i32, i32) {
    %c0_i32 = arith.constant 0 : i32
    %c0_i32_0 = arith.constant 0 : i32
    return %arg0, %c0_i32 : i32, i32
  }
  func.func @transform_2(%arg0: i32) -> (i32, i32) {
    %c0_i32 = arith.constant 0 : i32
    %c0_i32_0 = arith.constant 0 : i32
    return %arg0, %c0_i32 : i32, i32
  }
  func.func @transform_3(%arg0: i32) -> (i32, i32) {
    %c0_i32 = arith.constant 0 : i32
    %c0_i32_0 = arith.constant 0 : i32
    return %arg0, %c0_i32 : i32, i32
  }
  func.func @transform_4(%arg0: i32) -> (i32, i32) {
    %c0_i32 = arith.constant 0 : i32
    %c0_i32_0 = arith.constant 0 : i32
    return %arg0, %c0_i32 : i32, i32
  }
}

</mosaic_0001>

<sc_bundles>
// kernel: kernel.10.cloned.1.call-start
scs
__scs_entry_jumppad:
0x0: {  	(pc) =	sbr.rel $0x88, $3  }
0x1: {  	(tag) =	ssettag $0x0;
	lr =	simm.s32 $0x1  }
0x2: {  	[smem:$0x3F9C] =	sst lr;
	_ =	strace $0xD0000000  }
0x3: {  	_ = 	snop  }
0x4: {  	_ = 	snop  }
0x5: {  	_ = 	snop  }
0x6: {  	_ = 	snop  }
0x7: {  	_ = 	snop  }
__scs_overlays_trampoline_lowered:
0x8: {  	[smem:$0x3FAB] =	sst s0  }
0x9: {  	[smem:$0x3FAC] =	sst s1  }
0xa: {  	[smem:$0x3FAD] =	sst s2  }
0xb: {  	[smem:$0x3FAE] =	sst s3  }
0xc: {  	[smem:$0x3FAF] =	sst s4  }
0xd: {  	[smem:$0x3FB0] =	sst s5  }
0xe: {  	[smem:$0x3FB1] =	sst s6  }
0xf: {  	[smem:$0x3FB2] =	sst s7  }
0x10: {  	[smem:$0x3FB3] =	sst s8  }
0x11: {  	[smem:$0x3FB4] =	sst s9;
	s0 =	simm.s32 @!p0 $0x0  }
0x12: {  	s1 =	sld [smem:$0x3F9A];
	s0 =	simm.s32 @p0 $0x1  }
0x13: {  	[smem:$0x3FB5] =	sst s0;
	s0 =	simm.s32 @!p1 $0x0  }
0x14: {  	s2 =	sld [smem:$0x3F99];
	s0 =	simm.s32 @p1 $0x1  }
0x15: {  	[smem:$0x3FB6] =	sst s0;
	s0 =	simm.s32 @!p2 $0x0  }
0x16: {  	s3 =	sld [smem:$0x3FDB];
	s0 =	simm.s32 @p2 $0x1  }
0x17: {  	s4 =	simm.s32 $0x1BF5;
	[smem:$0x3FB8] =	sst s0  }
0x18: {  	s0 =	sld [smem:$0x3F9B];
	_ =	swait.ge [sflag:s4], $0x0  }
0x19: {  	s7 =	sld [smem:$0x3F9C]  }
0x1a: {  	s8 =	sadd.s32 $0xFFFFE003, lr  }
0x1b: {  	s9 =	sadd.s32 $0xFFFFFEF7, lr;
	s5 =	simm.s32 $0xFFFFFFFF;
	p2 =	slt.u32 s8, $0xFFFFF086  }
0x1c: {  	p1 =	slt.u32 s9, $0xF7A;
	s5 =	simm.s32 @!p2 $0x0  }
0x1d: {  	s5 =	simm.s32 @p1 $0x1;
	p0 =	seq.s32 s7, s2  }
0x1e: {  	s7 =	smul.u32 @!p0 $0xF7A, s2;
	p2 =	seq.s32 @!p0 s5, $0x0  }
0x1f: {  	s9 =	smul.u32 $0xF7A, s1;
	s8 =	simm.s32 @!p0 $0x1BF5;
	p2 =	por !p2, p0  }
0x20: {  	[sflag:s8] =	ssyncset.s32 @!p0 $0xFFFFF086;
	s6 =	sadd.s32 @!p0 s3, s7;
	s7 =	simm.s32 @!p0 $0x108  }
0x21: {  	s3 =	sadd.s32 s3, s9;
	s6 =	sadd.s32 @!p0 $0x88, s6;
	s7 =	simm.s32 @p2 $0x1082  }
0x22: {  	[simem:s7], [sflag:s8] =	dma.local @!p0 [hbm:s6], $0xF7A  }
0x23: {  	s9 =	sor.u32 $0xD0000000, s2;
	s6 =	simm.s32 $0x108;
	_ =	swait.ge @!p0 [sflag:s8], $0x0  }
0x24: {  	s3 =	sadd.s32 $0x88, s3;
	s6 =	simm.s32 @!p1 $0x1082;
	[sflag:s4] =	ssyncset.s32 $0xFFFFF086  }
0x25: {  	[simem:s6], [sflag:s4] =	dma.local [hbm:s3], $0xF7A  }
0x26: {  	[smem:$0x3F9C] =	sst s1;
	(tag) =	ssettag s2;
	_ =	strace s9  }
0x27: {  	s1 =	sld [smem:$0x3FAC]  }
0x28: {  	s2 =	sld [smem:$0x3FAD]  }
0x29: {  	s4 =	sld [smem:$0x3FAF]  }
0x2a: {  	p0 =	seq.s32 s5, $0x0;
	s5 =	sld [smem:$0x3FB0]  }
0x2b: {  	s6 =	sld [smem:$0x3FB1]  }
0x2c: {  	s7 =	sld [smem:$0x3FB2]  }
0x2d: {  	s3 =	simm.s32 $0x108;
	s8 =	sld [smem:$0x3FB3]  }
0x2e: {  	s3 =	simm.s32 @!p0 $0x1082;
	s9 =	sld [smem:$0x3FB4]  }
0x2f: {  	lr =	sadd.s32 s0, s3;
	s0 =	sld [smem:$0x3FAB]  }
0x30: {  	s3 =	sld [smem:$0x3FAE]  }
0x31: {  	[smem:$0x3FB7] =	sst s10  }
0x32: {  	s10 =	sld [smem:$0x3FB5];
	_ =	sdelay $0x3  }
0x33: {  	p0 =	seq.s32 s10, $0x1;
	s10 =	sld [smem:$0x3FB7];
	_ =	sdelay $0x3  }
0x34: {  	[smem:$0x3FB7] =	sst s10  }
0x35: {  	s10 =	sld [smem:$0x3FB6];
	_ =	sdelay $0x3  }
0x36: {  	p1 =	seq.s32 s10, $0x1;
	s10 =	sld [smem:$0x3FB7];
	_ =	sdelay $0x3  }
0x37: {  	[smem:$0x3FB7] =	sst s10  }
0x38: {  	s10 =	sld [smem:$0x3FB8]  }
0x39: {  	_ = 	snop;
	(pc) =	sbr.ind lr, $3  }
0x3a: {  	_ = 	snop  }
0x3b: {  	_ = 	snop  }
0x3c: {  	p2 =	seq.s32 s10, $0x1;
	s10 =	sld [smem:$0x3FB7]  }
0x3d: {  	_ =	shalt  }
0x3e: {  	_ =	shalt  }
0x3f: {  	_ =	shalt  }
0x40: {  	_ =	shalt  }
0x41: {  	_ =	shalt  }
0x42: {  	_ =	shalt  }
0x43: {  	_ =	shalt  }
0x44: {  	_ =	shalt  }
0x45: {  	_ =	shalt  }
0x46: {  	_ =	shalt  }
0x47: {  	_ =	shalt  }
0x48: {  	_ =	shalt  }
0x49: {  	_ =	shalt  }
0x4a: {  	_ =	shalt  }
0x4b: {  	_ =	shalt  }
0x4c: {  	_ =	shalt  }
0x4d: {  	_ =	shalt  }
0x4e: {  	_ =	shalt  }
0x4f: {  	_ =	shalt  }
0x50: {  	_ =	shalt  }
0x51: {  	_ =	shalt  }
0x52: {  	_ =	shalt  }
0x53: {  	_ =	shalt  }
0x54: {  	_ =	shalt  }
0x55: {  	_ =	shalt  }
0x56: {  	_ =	shalt  }
0x57: {  	_ =	shalt  }
0x58: {  	_ =	shalt  }
0x59: {  	_ =	shalt  }
0x5a: {  	_ =	shalt  }
0x5b: {  	_ =	shalt  }
0x5c: {  	_ =	shalt  }
0x5d: {  	_ =	shalt  }
0x5e: {  	_ =	shalt  }
0x5f: {  	_ =	shalt  }
0x60: {  	_ =	shalt  }
0x61: {  	_ =	shalt  }
0x62: {  	_ =	shalt  }
0x63: {  	_ =	shalt  }
0x64: {  	_ =	shalt  }
0x65: {  	_ =	shalt  }
0x66: {  	_ =	shalt  }
0x67: {  	_ =	shalt  }
0x68: {  	_ =	shalt  }
0x69: {  	_ =	shalt  }
0x6a: {  	_ =	shalt  }
0x6b: {  	_ =	shalt  }
0x6c: {  	_ =	shalt  }
0x6d: {  	_ =	shalt  }
0x6e: {  	_ =	shalt  }
0x6f: {  	_ =	shalt  }
0x70: {  	_ =	shalt  }
0x71: {  	_ =	shalt  }
0x72: {  	_ =	shalt  }
0x73: {  	_ =	shalt  }
0x74: {  	_ =	shalt  }
0x75: {  	_ =	shalt  }
0x76: {  	_ =	shalt  }
0x77: {  	_ =	shalt  }
0x78: {  	_ =	shalt  }
0x79: {  	_ =	shalt  }
0x7a: {  	_ =	shalt  }
0x7b: {  	_ =	shalt  }
0x7c: {  	_ =	shalt  }
0x7d: {  	_ =	shalt  }
0x7e: {  	_ =	shalt  }
0x7f: {  	_ =	shalt  }
0x80: {  	_ =	shalt  }
0x81: {  	_ =	shalt  }
0x82: {  	_ =	shalt  }
0x83: {  	_ =	shalt  }
0x84: {  	_ =	shalt  }
0x85: {  	_ =	shalt  }
0x86: {  	_ =	shalt  }
0x87: {  	_ =	shalt  }
.Lfunc_end0:
.L_simem_size_0:
called_computation.1_lowered:
.L_overlay_start_0:
0x88: {  	s2 =	sld [smem:$0x3FD9]  }
0x89: {  	s3 =	sld [smem:$0x3FFE];
	_ =	sdelay $0x1  }
0x8a: {  	s1 =	srdreg.scid  }
0x8b: {  	s0 =	sand.u32 $0x1, s1  }
0x8c: {  	s17 =	sshll.u32 s0, $0xA;
	s2 =	sadd.s32 s3, s2  }
0x8d: {  	s2 =	sadd.s32 s2, s17  }
0x8e: {  	[smem:$0x3FC3] =	sst s2  }
0x8f: {  	_ = 	snop  }
0x90: {  	s2 =	sld [smem:$0x3FD0];
	(tm) =	ssettm $0x1  }
0x91: {  	s18 =	sld [smem:$0x3FFB];
	_ =	sdelay $0x3  }
0x92: {  	_ =	strace s18  }
0x93: {  	s3 =	sld [smem:$0x3FFC];
	_ =	sdelay $0x3  }
0x94: {  	_ =	strace s3  }
0x95: {  	s3 =	sld [smem:$0x3FFD];
	_ =	sdelay $0x3  }
0x96: {  	_ =	strace s3  }
0x97: {  	_ =	strace $0x8FFFFFFF  }
0x98: {  	s19 =	sld [smem:$0x3FDB];
	_ =	sdelay $0x1  }
0x99: {  	s4 =	simm.s32 $_scs_section_size  }
0x9a: {  	s5 =	simm.s32 $_size__tile_overlayer_lowered;
	s6 =	simm.s32 $_tile_overlayer_lowered  }
0x9b: {  	s22 =	simm.s32 $0x1BFF;
	s21 =	sshll.u32 s6, $0x1;
	s3 =	sadd.s32 s4, s19  }
0x9c: {  	s7 =	simm.s32 $0x0;
	s20 =	sshll.u32 s5, $0x1;
	s5 =	sadd.s32 s21, s3  }
0x9d: {  	[timem:s7], [sflag:s22] =	dma.local [hbm:s5], s20  }
0x9e: {  	_ =	swait.ge [sflag:s22], s20  }
0x9f: {  	s4 =	ssub.s32 $0x0, s20;
	[sflag:s22] =	ssyncset.done $0x0  }
0xa0: {  	[sflag:s22] =	ssyncadd.s32 s4;
	_ =	sdelay $0x1  }
0xa1: {  	s23 =	simm.s32 $0x1B8B  }
0xa2: {  	_ =	swait.ge [sflag:s23], $0x1  }
0xa3: {  	[sflag:s23] =	ssyncset.done $0x0  }
0xa4: {  	s25 =	simm.s32 $0x1B8E;
	s24 =	sld [smem:$0x3FFE];
	[sflag:s23] =	ssyncadd.s32 $0xFFFFFFFF  }
0xa5: {  	s26 =	simm.s32 $execute0_lowered;
	[smem:$0x3FD2] =	sst s25  }
0xa6: {  	s5 =	sshll.u32 s26, $0x1;
	_ =	strace $0x80000049;
	[dreg:$0x1] =	wrdreg $0xFFFFFFFF  }
0xa7: {  	s28 =	simm.s32 $_size_execute0_lowered;
	s3 =	sadd.s32 s3, s5;
	[dreg:$0x0] =	wrdreg $0x0  }
0xa8: {  	s5 =	sshll.u32 s28, $0x1;
	[dreg:$0x2] =	wrdreg s3  }
0xa9: {  	[dreg:$0x3] =	wrdreg s5  }
0xaa: {  	[dreg:$0x4] =	wrdreg $0xC0  }
0xab: {  	_ =	task [dreg:s7], $0x5FFFF  }
0xac: {  	[dreg:$0x1] =	wrdreg $0xFFFFFFFF  }
0xad: {  	[dreg:$0x0] =	wrdreg $0x60  }
0xae: {  	[dreg:$0x2] =	wrdreg s24  }
0xaf: {  	[dreg:$0x3] =	wrdreg s2  }
0xb0: {  	[dreg:$0x4] =	wrdreg $0xA8000  }
0xb1: {  	[dreg:$0x5] =	wrdreg $0x9  }
0xb2: {  	_ =	task.clear_ibuf [dreg:s7], $0x6FFFF;
	_ =	strace $0x90000049  }
0xb3: {  	s29 =	simm.s32 $0x9;
	_ =	strace $0x8000004B  }
0xb4: {  	_ =	swait.ge [sflag:s29], $0x1  }
0xb5: {  	[sflag:s29] =	ssyncadd.s32 $0xFFFFFFFF  }
0xb6: {  	_ =	strace $0x9000004B  }
0xb7: {  	_ =	sfence  }
0xb8: {  	s30 =	sld [smem:$0x0];
	_ =	sdelay $0x2  }
0xb9: {  	s31 =	sshll.u32 s1, $0xD;
	s1 =	sshrl.u32 s1, $0x2  }
0xba: {  	s3 =	sand.u32 $0x4000, s31;
	s1 =	sadd.s32 s1, s30  }
0xbb: {  	s0 =	sor.u32 s3, s0;
	s1 =	sshll.u32 s1, $0x11  }
0xbc: {  	s0 =	sor.u32 s1, s0  }
0xbd: {  	s0 =	sadd.s32 $0x8F2B, s0  }
0xbe: {  	[sflag:s0] =	ssyncadd.remote.s32 $0x1  }
0xbf: {  	_ =	sfence.sel $0xFFFF  }
0xc0: {  	[dreg:$0x0] =	wrdreg $0xFFFFFFFF;
	(pc) =	sbr.abs _section_cstart, $3  }
0xc1: {  	[dreg:$0x1] =	wrdreg $0xFFFFFFFF  }
0xc2: {  	_ =	task.clear_ibuf [dreg:s7], $0x2FFFF;
	_ =	strace $0x9FFFFFFF  }
0xc3: {  	(tm) =	ssettm $0x7FFFFFFF  }
tec
execute0_lowered:
.L_overlay_start_1:
0x0: {  	(tag) =	ssettag $0x1  }
0x1: {  	s5 =	rddreg [dreg:$0x0]  }
0x2: {  	s11 =	rddreg [dreg:$0x1]  }
0x3: {  	s2 =	rddreg [dreg:$0x2]  }
0x4: {  	s4 =	srdreg.scid;
	s1 =	stileid.u32  }
0x5: {  	s3 =	simm.s32 $0x0;
	s16 =	simm.s32 $0x1400;
	s17 =	simm.s32 $0x80  }
0x6: {  	s18 =	simm.s32 $0x2800;
	s19 =	simm.s32 $0x3;
	s20 =	simm.s32 $0x6800  }
0x7: {  	s21 =	simm.s32 $0x1;
	s22 =	simm.s32 $0x2;
	s23 =	simm.s32 $0x1380  }
0x8: {  	s24 =	simm.s32 $0x2700;
	s25 =	simm.s32 $0x2780;
	s26 =	simm.s32 $0x0  }
0x9: {  	s6 =	sand.u32 $0x1, s4;
	s7 =	smul.u32 $0x14000, s1;
	[smem:$0x7FF] =	sst s3  }
0xa: {  	s10 =	sadd.s32 $0x2600, s5;
	s4 =	sadd.s32 $0xC600, s5;
	s9 =	smul.u32 $0x50000, s1  }
0xb: {  	s12 =	sshll.u32 s1, $0x1;
	s8 =	smul.u32 $0x140000, s6;
	s28 =	ssub.s32 $0x2, s6  }
0xc: {  	_ =	strace $0x8000004A;
	s6 =	sor.u32 s6, s12;
	s29 =	sshrl.u32 s28, $0x1  }
0xd: {  	s9 =	sshrl.u32 s9, $0x2;
	s12 =	smul.u32 $0x2800, s6;
	s30 =	sshrl.u32 s7, $0x3  }
0xe: {  	s6 =	sshll.u32 s1, $0x6;
	s8 =	sadd.s32 s7, s8;
	s14 =	ssub.s32 s28, s29  }
0xf: {  	s15 =	sadd.s32 s9, s2;
	s7 =	sor.u32 $0x1C03, s6;
	s8 =	sshrl.u32 s8, $0x3  }
0x10: {  	s31 =	sshrl.u32 s12, $0x3;
	s13 =	sadd.s32 s8, s5;
	s5 =	sadd.s32 s4, s30  }
0x11: {  	s8 =	sadd.s32 s10, s31;
	s12 =	sadd.s32 $0x280, s31;
	s9 =	sadd.s32 s11, s31  }
0x12: {  	s10 =	sadd.s32 s10, s12;
	s11 =	sadd.s32 s11, s12;
	s12 =	sadd.s32 $0x34600, s13  }
0x13: {  	s13 =	smax.u32 s14, $0x1;
	s14 =	sshrl.u32 s15, $0x3;
	s15 =	simm.s32 $0x4  }
.LBB2_1:
0x14: {  	[spmem:s14], [sflag:s7] =	dma.local [hbm:s5], $0x2800  }
0x15: {  	[tilespmem:s3], [sflag:$0x4] =	stream.linear.gather [hbm4b:s8+s3], $0x1400, $0x38;
	[tilespmem:$0x1E800] =	vst v63  }
0x16: {  	_ =	swait.ge [sflag:s15], $0x1400  }
0x17: {  	[sflag:s15] =	ssyncset.done $0x0  }
0x18: {  	[sflag:s15] =	ssyncadd.s32 $0xFFFFEC00  }
0x19: {  	[tilespmem:s16], [sflag:$0x4] =	stream.linear.gather [hbm4b:s9+s3], $0x1400, $0x38;
	[tilespmem:$0x1E800] =	vst v63  }
0x1a: {  	_ =	swait.ge [sflag:s15], $0x1400  }
0x1b: {  	[sflag:s15] =	ssyncset.done $0x0  }
0x1c: {  	[sflag:s15] =	ssyncadd.s32 $0xFFFFEC00  }
0x1d: {  	[tilespmem:s18], [sflag:$0x1] =	stream.indirect.gather [hbm4b:s4+s17], $0x80, s3, s17, $0xb8;
	[tilespmem:$0x1E800] =	vst v63  }
0x1e: {  	_ =	swait.ge [sflag:s19], $0x2800  }
0x1f: {  	[sflag:s19] =	ssyncset.done $0x0  }
0x20: {  	[sflag:s19] =	ssyncadd.s32 $0xFFFFD800  }
0x21: {  	s28 =	simm.s32 $0x80;
	[bflag:$0x0] =	sbarrier.arrive $0xFFFF  }
0x22: {  	[tilespmem:s20], [sflag:$0x2] =	stream.indirect.gather [hbm4b:s4+s17], $0x80, s28, s17, $0xb8;
	[tilespmem:$0x1E800] =	vst v63  }
0x23: {  	_ =	swait.ge [sflag:s21], $0x4000  }
0x24: {  	[sflag:s21] =	ssyncset.done $0x0  }
0x25: {  	s28 =	simm.s32 $0x1400;
	[sflag:s21] =	ssyncadd.s32 $0xFFFFC000  }
0x26: {  	[spmem:s2] =	stream.indirect.scatter.add.f32 [tilespmem:s18], [sflag:$0x4], $0x80, s28, s17, $0xb8;
	[tilespmem:$0x1E800] =	vst v63  }
0x27: {  	_ =	swait.ge [sflag:s15], $0x4000  }
0x28: {  	[sflag:s15] =	ssyncset.done $0x0  }
0x29: {  	s28 =	simm.s32 $0x100;
	[sflag:s15] =	ssyncadd.s32 $0xFFFFC000  }
0x2a: {  	[tilespmem:s18], [sflag:$0x1] =	stream.indirect.gather [hbm4b:s4+s17], $0x80, s28, s17, $0xb8;
	[tilespmem:$0x1E800] =	vst v63  }
0x2b: {  	_ =	swait.ge [sflag:s22], $0x4000  }
0x2c: {  	[sflag:s22] =	ssyncset.done $0x0  }
0x2d: {  	s28 =	simm.s32 $0x1480;
	[sflag:s22] =	ssyncadd.s32 $0xFFFFC000  }
0x2e: {  	[spmem:s2] =	stream.indirect.scatter.add.f32 [tilespmem:s20], [sflag:$0x4], $0x80, s28, s17, $0xb8;
	[tilespmem:$0x1E800] =	vst v63  }
0x2f: {  	_ =	swait.ge [sflag:s15], $0x4000  }
0x30: {  	s29 =	simm.s32 $0x800;
	s28 =	simm.s32 $0x100;
	[sflag:s15] =	ssyncset.done $0x0  }
.LBB2_2:
0x31: {  	s30 =	sadd.s32 $0x80, s28  }
0x32: {  	[sflag:s15] =	ssyncadd.s32 $0xFFFFC000;
	s31 =	smov.u32 s29;
	s0 =	sadd.s32 $0x400, s29  }
0x33: {  	[tilespmem:s20], [sflag:$0x2] =	stream.indirect.gather [hbm4b:s4+s17], $0x80, s30, s17, $0xb8;
	[tilespmem:$0x1E800] =	vst v63  }
0x34: {  	p0 =	sne.s32 s29, $0x4800;
	_ =	swait.ge [sflag:s21], $0x4000  }
0x35: {  	[sflag:s21] =	ssyncset.done $0x0  }
0x36: {  	s29 =	sadd.s32 $0x1400, s28;
	[sflag:s21] =	ssyncadd.s32 $0xFFFFC000  }
0x37: {  	[spmem:s2] =	stream.indirect.scatter.add.f32 [tilespmem:s18], [sflag:$0x4], $0x80, s29, s17, $0xb8;
	[tilespmem:$0x1E800] =	vst v63  }
0x38: {  	_ =	swait.ge [sflag:s15], $0x4000  }
0x39: {  	[sflag:s15] =	ssyncset.done $0x0  }
0x3a: {  	s29 =	sadd.s32 $0x100, s28;
	[sflag:s15] =	ssyncadd.s32 $0xFFFFC000  }
0x3b: {  	[tilespmem:s18], [sflag:$0x1] =	stream.indirect.gather [hbm4b:s4+s17], $0x80, s29, s17, $0xb8;
	[tilespmem:$0x1E800] =	vst v63  }
0x3c: {  	_ =	swait.ge [sflag:s22], $0x4000  }
.Ltmp0:
0x3d: {  	[sflag:s22] =	ssyncset.done $0x0;
	(pc) =	sbr.rel @p0 .LBB2_2-.Ltmp0, $4  }
0x3e: {  	s28 =	sadd.s32 $0x1480, s28;
	[sflag:s22] =	ssyncadd.s32 $0xFFFFC000  }
0x3f: {  	[spmem:s2] =	stream.indirect.scatter.add.f32 [tilespmem:s20], [sflag:$0x4], $0x80, s28, s17, $0xb8;
	[tilespmem:$0x1E800] =	vst v63  }
0x40: {  	_ =	swait.ge [sflag:s15], $0x4000  }
0x41: {  	s29 =	smov.u32 s0;
	s28 =	sshra.s32 s31, $0x2;
	[sflag:s15] =	ssyncset.done $0x0  }
0x42: {  	s0 =	sadd.s32 $0x80, s28;
	[sflag:s15] =	ssyncadd.s32 $0xFFFFC000  }
0x43: {  	[tilespmem:s20], [sflag:$0x2] =	stream.indirect.gather [hbm4b:s4+s17], $0x80, s0, s17, $0xb8;
	[tilespmem:$0x1E800] =	vst v63  }
0x44: {  	_ =	swait.ge [sflag:s21], $0x4000  }
0x45: {  	[sflag:s21] =	ssyncset.done $0x0  }
0x46: {  	s30 =	sadd.s32 $0x1400, s28;
	[sflag:s21] =	ssyncadd.s32 $0xFFFFC000  }
0x47: {  	[spmem:s2] =	stream.indirect.scatter.add.f32 [tilespmem:s18], [sflag:$0x4], $0x80, s30, s17, $0xb8;
	[tilespmem:$0x1E800] =	vst v63  }
0x48: {  	_ =	swait.ge [sflag:s15], $0x4000  }
0x49: {  	[sflag:s15] =	ssyncset.done $0x0  }
0x4a: {  	s31 =	sadd.s32 $0x100, s28;
	[sflag:s15] =	ssyncadd.s32 $0xFFFFC000  }
0x4b: {  	[tilespmem:s18], [sflag:$0x1] =	stream.indirect.gather [hbm4b:s4+s17], $0x80, s31, s17, $0xb8;
	[tilespmem:$0x1E800] =	vst v63  }
0x4c: {  	_ =	swait.ge [sflag:s22], $0x4000  }
0x4d: {  	[sflag:s22] =	ssyncset.done $0x0  }
0x4e: {  	s30 =	sadd.s32 $0x1480, s28;
	[sflag:s22] =	ssyncadd.s32 $0xFFFFC000  }
0x4f: {  	[spmem:s2] =	stream.indirect.scatter.add.f32 [tilespmem:s20], [sflag:$0x4], $0x80, s30, s17, $0xb8;
	[tilespmem:$0x1E800] =	vst v63  }
0x50: {  	_ =	swait.ge [sflag:s15], $0x4000  }
0x51: {  	[sflag:s15] =	ssyncset.done $0x0  }
0x52: {  	[sflag:s15] =	ssyncadd.s32 $0xFFFFC000  }
0x53: {  	[tilespmem:s20], [sflag:$0x2] =	stream.indirect.gather [hbm4b:s4+s17], $0x80, s23, s17, $0xb8;
	[tilespmem:$0x1E800] =	vst v63  }
0x54: {  	_ =	swait.ge [sflag:s21], $0x4000  }
0x55: {  	[sflag:s21] =	ssyncset.done $0x0  }
0x56: {  	[sflag:s21] =	ssyncadd.s32 $0xFFFFC000  }
0x57: {  	[spmem:s2] =	stream.indirect.scatter.add.f32 [tilespmem:s18], [sflag:$0x4], $0x80, s24, s17, $0xb8;
	[tilespmem:$0x1E800] =	vst v63  }
0x58: {  	_ =	swait.ge [sflag:s15], $0x4000  }
0x59: {  	[sflag:s15] =	ssyncset.done $0x0  }
0x5a: {  	[sflag:s15] =	ssyncadd.s32 $0xFFFFC000  }
0x5b: {  	_ =	swait.ge [sflag:s22], $0x4000  }
0x5c: {  	[sflag:s22] =	ssyncset.done $0x0  }
0x5d: {  	[sflag:s22] =	ssyncadd.s32 $0xFFFFC000  }
0x5e: {  	[spmem:s2] =	stream.indirect.scatter.add.f32 [tilespmem:s20], [sflag:$0x4], $0x80, s25, s17, $0xb8;
	[tilespmem:$0x1E800] =	vst v63  }
0x5f: {  	_ =	swait.ge [sflag:s15], $0x4000  }
0x60: {  	[sflag:s15] =	ssyncset.done $0x0  }
0x61: {  	s31 =	simm.s32 $0x0;
	[sflag:s15] =	ssyncadd.s32 $0xFFFFC000  }
0x62: {  	[tilespmem:s31], [sflag:$0x4] =	stream.linear.gather [hbm4b:s10+s31], $0x1400, $0x38;
	[tilespmem:$0x1E800] =	vst v63  }
0x63: {  	_ =	swait.ge [sflag:s15], $0x1400  }
0x64: {  	[sflag:s15] =	ssyncset.done $0x0  }
0x65: {  	[sflag:s15] =	ssyncadd.s32 $0xFFFFEC00  }
0x66: {  	[tilespmem:s16], [sflag:$0x4] =	stream.linear.gather [hbm4b:s11+s31], $0x1400, $0x38;
	[tilespmem:$0x1E800] =	vst v63  }
0x67: {  	_ =	swait.ge [sflag:s15], $0x1400  }
0x68: {  	[sflag:s15] =	ssyncset.done $0x0  }
0x69: {  	[sflag:s15] =	ssyncadd.s32 $0xFFFFEC00  }
0x6a: {  	[tilespmem:s18], [sflag:$0x1] =	stream.indirect.gather [hbm4b:s4+s17], $0x80, s31, s17, $0xb8;
	[tilespmem:$0x1E800] =	vst v63  }
0x6b: {  	s30 =	simm.s32 $0x80  }
0x6c: {  	[tilespmem:s20], [sflag:$0x2] =	stream.indirect.gather [hbm4b:s4+s17], $0x80, s30, s17, $0xb8;
	[tilespmem:$0x1E800] =	vst v63  }
0x6d: {  	_ =	swait.ge [sflag:s21], $0x4000  }
0x6e: {  	[sflag:s21] =	ssyncset.done $0x0  }
0x6f: {  	s31 =	simm.s32 $0x1400;
	[sflag:s21] =	ssyncadd.s32 $0xFFFFC000  }
0x70: {  	[spmem:s2] =	stream.indirect.scatter.add.f32 [tilespmem:s18], [sflag:$0x4], $0x80, s31, s17, $0xb8;
	[tilespmem:$0x1E800] =	vst v63  }
0x71: {  	_ =	swait.ge [sflag:s15], $0x4000  }
0x72: {  	[sflag:s15] =	ssyncset.done $0x0  }
0x73: {  	s30 =	simm.s32 $0x100;
	[sflag:s15] =	ssyncadd.s32 $0xFFFFC000  }
0x74: {  	[tilespmem:s18], [sflag:$0x1] =	stream.indirect.gather [hbm4b:s4+s17], $0x80, s30, s17, $0xb8;
	[tilespmem:$0x1E800] =	vst v63  }
0x75: {  	_ =	swait.ge [sflag:s22], $0x4000  }
0x76: {  	[sflag:s22] =	ssyncset.done $0x0  }
0x77: {  	s31 =	simm.s32 $0x1480;
	[sflag:s22] =	ssyncadd.s32 $0xFFFFC000  }
0x78: {  	[spmem:s2] =	stream.indirect.scatter.add.f32 [tilespmem:s20], [sflag:$0x4], $0x80, s31, s17, $0xb8;
	[tilespmem:$0x1E800] =	vst v63  }
0x79: {  	_ =	swait.ge [sflag:s15], $0x4000  }
0x7a: {  	s29 =	simm.s32 $0x800;
	s28 =	simm.s32 $0x100;
	[sflag:s15] =	ssyncset.done $0x0  }
.LBB2_4:
0x7b: {  	s0 =	sadd.s32 $0x80, s28  }
0x7c: {  	[sflag:s15] =	ssyncadd.s32 $0xFFFFC000;
	s30 =	smov.u32 s29;
	s31 =	sadd.s32 $0x400, s29  }
0x7d: {  	[tilespmem:s20], [sflag:$0x2] =	stream.indirect.gather [hbm4b:s4+s17], $0x80, s0, s17, $0xb8;
	[tilespmem:$0x1E800] =	vst v63  }
0x7e: {  	p0 =	sne.s32 s29, $0x4800;
	_ =	swait.ge [sflag:s21], $0x4000  }
0x7f: {  	[sflag:s21] =	ssyncset.done $0x0  }
0x80: {  	s0 =	sadd.s32 $0x1400, s28;
	[sflag:s21] =	ssyncadd.s32 $0xFFFFC000  }
0x81: {  	[spmem:s2] =	stream.indirect.scatter.add.f32 [tilespmem:s18], [sflag:$0x4], $0x80, s0, s17, $0xb8;
	[tilespmem:$0x1E800] =	vst v63  }
0x82: {  	_ =	swait.ge [sflag:s15], $0x4000  }
0x83: {  	[sflag:s15] =	ssyncset.done $0x0  }
0x84: {  	s0 =	sadd.s32 $0x100, s28;
	[sflag:s15] =	ssyncadd.s32 $0xFFFFC000  }
0x85: {  	[tilespmem:s18], [sflag:$0x1] =	stream.indirect.gather [hbm4b:s4+s17], $0x80, s0, s17, $0xb8;
	[tilespmem:$0x1E800] =	vst v63  }
0x86: {  	_ =	swait.ge [sflag:s22], $0x4000  }
.Ltmp1:
0x87: {  	[sflag:s22] =	ssyncset.done $0x0;
	(pc) =	sbr.rel @p0 .LBB2_4-.Ltmp1, $4  }
0x88: {  	s0 =	sadd.s32 $0x1480, s28;
	[sflag:s22] =	ssyncadd.s32 $0xFFFFC000  }
0x89: {  	[spmem:s2] =	stream.indirect.scatter.add.f32 [tilespmem:s20], [sflag:$0x4], $0x80, s0, s17, $0xb8;
	[tilespmem:$0x1E800] =	vst v63  }
0x8a: {  	_ =	swait.ge [sflag:s15], $0x4000  }
0x8b: {  	s29 =	smov.u32 s31;
	s28 =	sshra.s32 s30, $0x2;
	[sflag:s15] =	ssyncset.done $0x0  }
0x8c: {  	s0 =	sadd.s32 $0x80, s28;
	[sflag:s15] =	ssyncadd.s32 $0xFFFFC000  }
0x8d: {  	[tilespmem:s20], [sflag:$0x2] =	stream.indirect.gather [hbm4b:s4+s17], $0x80, s0, s17, $0xb8;
	[tilespmem:$0x1E800] =	vst v63  }
0x8e: {  	_ =	swait.ge [sflag:s21], $0x4000  }
0x8f: {  	[sflag:s21] =	ssyncset.done $0x0  }
0x90: {  	s31 =	sadd.s32 $0x1400, s28;
	[sflag:s21] =	ssyncadd.s32 $0xFFFFC000  }
0x91: {  	[spmem:s2] =	stream.indirect.scatter.add.f32 [tilespmem:s18], [sflag:$0x4], $0x80, s31, s17, $0xb8;
	[tilespmem:$0x1E800] =	vst v63  }
0x92: {  	_ =	swait.ge [sflag:s15], $0x4000  }
0x93: {  	[sflag:s15] =	ssyncset.done $0x0  }
0x94: {  	s29 =	sadd.s32 $0x100, s28;
	[sflag:s15] =	ssyncadd.s32 $0xFFFFC000  }
0x95: {  	[tilespmem:s18], [sflag:$0x1] =	stream.indirect.gather [hbm4b:s4+s17], $0x80, s29, s17, $0xb8;
	[tilespmem:$0x1E800] =	vst v63  }
0x96: {  	_ =	swait.ge [sflag:s22], $0x4000  }
0x97: {  	[sflag:s22] =	ssyncset.done $0x0  }
0x98: {  	s30 =	sadd.s32 $0x1480, s28;
	[sflag:s22] =	ssyncadd.s32 $0xFFFFC000  }
0x99: {  	[spmem:s2] =	stream.indirect.scatter.add.f32 [tilespmem:s20], [sflag:$0x4], $0x80, s30, s17, $0xb8;
	[tilespmem:$0x1E800] =	vst v63  }
0x9a: {  	_ =	swait.ge [sflag:s15], $0x4000  }
0x9b: {  	[sflag:s15] =	ssyncset.done $0x0  }
0x9c: {  	[sflag:s15] =	ssyncadd.s32 $0xFFFFC000  }
0x9d: {  	[tilespmem:s20], [sflag:$0x2] =	stream.indirect.gather [hbm4b:s4+s17], $0x80, s23, s17, $0xb8;
	[tilespmem:$0x1E800] =	vst v63  }
0x9e: {  	_ =	swait.ge [sflag:s21], $0x4000  }
0x9f: {  	[sflag:s21] =	ssyncset.done $0x0  }
0xa0: {  	[sflag:s21] =	ssyncadd.s32 $0xFFFFC000  }
0xa1: {  	[spmem:s2] =	stream.indirect.scatter.add.f32 [tilespmem:s18], [sflag:$0x4], $0x80, s24, s17, $0xb8;
	[tilespmem:$0x1E800] =	vst v63  }
0xa2: {  	_ =	swait.ge [sflag:s15], $0x4000  }
0xa3: {  	[sflag:s15] =	ssyncset.done $0x0  }
0xa4: {  	[sflag:s15] =	ssyncadd.s32 $0xFFFFC000  }
0xa5: {  	_ =	swait.ge [sflag:s22], $0x4000  }
0xa6: {  	[sflag:s22] =	ssyncset.done $0x0  }
0xa7: {  	[sflag:s22] =	ssyncadd.s32 $0xFFFFC000  }
0xa8: {  	[spmem:s2] =	stream.indirect.scatter.add.f32 [tilespmem:s20], [sflag:$0x4], $0x80, s25, s17, $0xb8;
	[tilespmem:$0x1E800] =	vst v63  }
0xa9: {  	_ =	swait.ge [sflag:s15], $0x4000  }
0xaa: {  	s26 =	sadd.s32 $0x1, s26;
	[sflag:s15] =	ssyncset.done $0x0  }
0xab: {  	p0 =	sne.s32 s26, s13;
	[sflag:s15] =	ssyncadd.s32 $0xFFFFC000  }
.Ltmp2:
0xac: {  	s31 =	sor.u32 $0x1C04, s6;
	[bflag:$0x0] =	sbarrier.arrive $0xFFFF;
	(pc) =	sbr.rel @p0 .LBB2_1-.Ltmp2, $4  }
0xad: {  	[hbm:s12], [sflag:s31] =	dma.local [spmem:s14], $0x2800  }
0xae: {  	_ =	swait.ge [sflag:s15], $0x2800  }
0xaf: {  	[sflag:s15] =	ssyncset.done $0x0  }
0xb0: {  	[sflag:s15] =	ssyncadd.s32 $0xFFFFD800  }
0xb1: {  	_ =	sfence.sel $0x180000  }
0xb2: {  	[bflag:$0x0] =	sbarrier.arrive $0xFFFF  }
0xb3: {  	_ =	strace $0x9000004A  }
0xb4: {  	[bflag:$0x2] =	sbarrier.arrive $0xFFFF  }
0xb5: {  	p0 =	sne.s32 s1, $0x0;
	s0 =	rddreg [dreg:$0x3]  }
0xb6: {  	s0 =	sadd.s32 @!p0 $0x100000, s0  }
0xb7: {  	[sflag:s0] =	ssyncadd.tile.s32 @!p0 $0x1;
	_ =	shalt  }
.Lfunc_end2:
_tile_overlayer_lowered:
.L_overlay_start_2:
0xb8: {  	(tag) =	ssettag $0x2  }
0xb9: {  	s0 =	rddreg [dreg:$0x0];
	s2 =	stileid.u32  }
0xba: {  	s1 =	rddreg [dreg:$0x1];
	p0 =	sne.s32 s2, $0x0  }
0xbb: {  	s3 =	rddreg [dreg:$0x2];
	[bflag:$0x3] =	sbarrier.arrive $0xFFFF;
	s2 =	simm.s32 @!p0 $0x1C04  }
0xbc: {  	[timem:s3], [sflag:s2] =	dma.local @!p0 [hbm:s0], s1  }
0xbd: {  	s0 =	simm.s32 @!p0 $0x4  }
0xbe: {  	_ =	swait.ge @!p0 [sflag:s0], s1  }
0xbf: {  	s1 =	ssub.s32 @!p0 $0x0, s1;
	[sflag:s0] =	ssyncset.done @!p0 $0x0  }
0xc0: {  	[sflag:s0] =	ssyncadd.s32 @!p0 s1  }
0xc1: {  	[bflag:$0x3] =	sbarrier.arrive $0xFFFF  }
0xc2: {  	_ =	shalt  }

// kernel: kernel.7.cloned.1.call-start
scs
__scs_entry_jumppad:
0x0: {  	(pc) =	sbr.rel $0x88, $3  }
0x1: {  	(tag) =	ssettag $0x0;
	lr =	simm.s32 $0x1  }
0x2: {  	[smem:$0x3F9C] =	sst lr;
	_ =	strace $0xD0000000  }
0x3: {  	_ = 	snop  }
0x4: {  	_ = 	snop  }
0x5: {  	_ = 	snop  }
0x6: {  	_ = 	snop  }
0x7: {  	_ = 	snop  }
__scs_overlays_trampoline_lowered:
0x8: {  	[smem:$0x3FAB] =	sst s0  }
0x9: {  	[smem:$0x3FAC] =	sst s1  }
0xa: {  	[smem:$0x3FAD] =	sst s2  }
0xb: {  	[smem:$0x3FAE] =	sst s3  }
0xc: {  	[smem:$0x3FAF] =	sst s4  }
0xd: {  	[smem:$0x3FB0] =	sst s5  }
0xe: {  	[smem:$0x3FB1] =	sst s6  }
0xf: {  	[smem:$0x3FB2] =	sst s7  }
0x10: {  	[smem:$0x3FB3] =	sst s8  }
0x11: {  	[smem:$0x3FB4] =	sst s9;
	s0 =	simm.s32 @!p0 $0x0  }
0x12: {  	s1 =	sld [smem:$0x3F9A];
	s0 =	simm.s32 @p0 $0x1  }
0x13: {  	[smem:$0x3FB5] =	sst s0;
	s0 =	simm.s32 @!p1 $0x0  }
0x14: {  	s2 =	sld [smem:$0x3F99];
	s0 =	simm.s32 @p1 $0x1  }
0x15: {  	[smem:$0x3FB6] =	sst s0;
	s0 =	simm.s32 @!p2 $0x0  }
0x16: {  	s3 =	sld [smem:$0x3FDB];
	s0 =	simm.s32 @p2 $0x1  }
0x17: {  	s4 =	simm.s32 $0x1BF5;
	[smem:$0x3FB8] =	sst s0  }
0x18: {  	s0 =	sld [smem:$0x3F9B];
	_ =	swait.ge [sflag:s4], $0x0  }
0x19: {  	s7 =	sld [smem:$0x3F9C]  }
0x1a: {  	s8 =	sadd.s32 $0xFFFFE003, lr  }
0x1b: {  	s9 =	sadd.s32 $0xFFFFFEF7, lr;
	s5 =	simm.s32 $0xFFFFFFFF;
	p2 =	slt.u32 s8, $0xFFFFF086  }
0x1c: {  	p1 =	slt.u32 s9, $0xF7A;
	s5 =	simm.s32 @!p2 $0x0  }
0x1d: {  	s5 =	simm.s32 @p1 $0x1;
	p0 =	seq.s32 s7, s2  }
0x1e: {  	s7 =	smul.u32 @!p0 $0xF7A, s2;
	p2 =	seq.s32 @!p0 s5, $0x0  }
0x1f: {  	s9 =	smul.u32 $0xF7A, s1;
	s8 =	simm.s32 @!p0 $0x1BF5;
	p2 =	por !p2, p0  }
0x20: {  	[sflag:s8] =	ssyncset.s32 @!p0 $0xFFFFF086;
	s6 =	sadd.s32 @!p0 s3, s7;
	s7 =	simm.s32 @!p0 $0x108  }
0x21: {  	s3 =	sadd.s32 s3, s9;
	s6 =	sadd.s32 @!p0 $0x88, s6;
	s7 =	simm.s32 @p2 $0x1082  }
0x22: {  	[simem:s7], [sflag:s8] =	dma.local @!p0 [hbm:s6], $0xF7A  }
0x23: {  	s9 =	sor.u32 $0xD0000000, s2;
	s6 =	simm.s32 $0x108;
	_ =	swait.ge @!p0 [sflag:s8], $0x0  }
0x24: {  	s3 =	sadd.s32 $0x88, s3;
	s6 =	simm.s32 @!p1 $0x1082;
	[sflag:s4] =	ssyncset.s32 $0xFFFFF086  }
0x25: {  	[simem:s6], [sflag:s4] =	dma.local [hbm:s3], $0xF7A  }
0x26: {  	[smem:$0x3F9C] =	sst s1;
	(tag) =	ssettag s2;
	_ =	strace s9  }
0x27: {  	s1 =	sld [smem:$0x3FAC]  }
0x28: {  	s2 =	sld [smem:$0x3FAD]  }
0x29: {  	s4 =	sld [smem:$0x3FAF]  }
0x2a: {  	p0 =	seq.s32 s5, $0x0;
	s5 =	sld [smem:$0x3FB0]  }
0x2b: {  	s6 =	sld [smem:$0x3FB1]  }
0x2c: {  	s7 =	sld [smem:$0x3FB2]  }
0x2d: {  	s3 =	simm.s32 $0x108;
	s8 =	sld [smem:$0x3FB3]  }
0x2e: {  	s3 =	simm.s32 @!p0 $0x1082;
	s9 =	sld [smem:$0x3FB4]  }
0x2f: {  	lr =	sadd.s32 s0, s3;
	s0 =	sld [smem:$0x3FAB]  }
0x30: {  	s3 =	sld [smem:$0x3FAE]  }
0x31: {  	[smem:$0x3FB7] =	sst s10  }
0x32: {  	s10 =	sld [smem:$0x3FB5];
	_ =	sdelay $0x3  }
0x33: {  	p0 =	seq.s32 s10, $0x1;
	s10 =	sld [smem:$0x3FB7];
	_ =	sdelay $0x3  }
0x34: {  	[smem:$0x3FB7] =	sst s10  }
0x35: {  	s10 =	sld [smem:$0x3FB6];
	_ =	sdelay $0x3  }
0x36: {  	p1 =	seq.s32 s10, $0x1;
	s10 =	sld [smem:$0x3FB7];
	_ =	sdelay $0x3  }
0x37: {  	[smem:$0x3FB7] =	sst s10  }
0x38: {  	s10 =	sld [smem:$0x3FB8]  }
0x39: {  	_ = 	snop;
	(pc) =	sbr.ind lr, $3  }
0x3a: {  	_ = 	snop  }
0x3b: {  	_ = 	snop  }
0x3c: {  	p2 =	seq.s32 s10, $0x1;
	s10 =	sld [smem:$0x3FB7]  }
0x3d: {  	_ =	shalt  }
0x3e: {  	_ =	shalt  }
0x3f: {  	_ =	shalt  }
0x40: {  	_ =	shalt  }
0x41: {  	_ =	shalt  }
0x42: {  	_ =	shalt  }
0x43: {  	_ =	shalt  }
0x44: {  	_ =	shalt  }
0x45: {  	_ =	shalt  }
0x46: {  	_ =	shalt  }
0x47: {  	_ =	shalt  }
0x48: {  	_ =	shalt  }
0x49: {  	_ =	shalt  }
0x4a: {  	_ =	shalt  }
0x4b: {  	_ =	shalt  }
0x4c: {  	_ =	shalt  }
0x4d: {  	_ =	shalt  }
0x4e: {  	_ =	shalt  }
0x4f: {  	_ =	shalt  }
0x50: {  	_ =	shalt  }
0x51: {  	_ =	shalt  }
0x52: {  	_ =	shalt  }
0x53: {  	_ =	shalt  }
0x54: {  	_ =	shalt  }
0x55: {  	_ =	shalt  }
0x56: {  	_ =	shalt  }
0x57: {  	_ =	shalt  }
0x58: {  	_ =	shalt  }
0x59: {  	_ =	shalt  }
0x5a: {  	_ =	shalt  }
0x5b: {  	_ =	shalt  }
0x5c: {  	_ =	shalt  }
0x5d: {  	_ =	shalt  }
0x5e: {  	_ =	shalt  }
0x5f: {  	_ =	shalt  }
0x60: {  	_ =	shalt  }
0x61: {  	_ =	shalt  }
0x62: {  	_ =	shalt  }
0x63: {  	_ =	shalt  }
0x64: {  	_ =	shalt  }
0x65: {  	_ =	shalt  }
0x66: {  	_ =	shalt  }
0x67: {  	_ =	shalt  }
0x68: {  	_ =	shalt  }
0x69: {  	_ =	shalt  }
0x6a: {  	_ =	shalt  }
0x6b: {  	_ =	shalt  }
0x6c: {  	_ =	shalt  }
0x6d: {  	_ =	shalt  }
0x6e: {  	_ =	shalt  }
0x6f: {  	_ =	shalt  }
0x70: {  	_ =	shalt  }
0x71: {  	_ =	shalt  }
0x72: {  	_ =	shalt  }
0x73: {  	_ =	shalt  }
0x74: {  	_ =	shalt  }
0x75: {  	_ =	shalt  }
0x76: {  	_ =	shalt  }
0x77: {  	_ =	shalt  }
0x78: {  	_ =	shalt  }
0x79: {  	_ =	shalt  }
0x7a: {  	_ =	shalt  }
0x7b: {  	_ =	shalt  }
0x7c: {  	_ =	shalt  }
0x7d: {  	_ =	shalt  }
0x7e: {  	_ =	shalt  }
0x7f: {  	_ =	shalt  }
0x80: {  	_ =	shalt  }
0x81: {  	_ =	shalt  }
0x82: {  	_ =	shalt  }
0x83: {  	_ =	shalt  }
0x84: {  	_ =	shalt  }
0x85: {  	_ =	shalt  }
0x86: {  	_ =	shalt  }
0x87: {  	_ =	shalt  }
.Lfunc_end0:
.L_simem_size_0:
called_computation_lowered:
.L_overlay_start_0:
0x88: {  	s2 =	sld [smem:$0x3FD9]  }
0x89: {  	s3 =	sld [smem:$0x3FFE];
	_ =	sdelay $0x1  }
0x8a: {  	s1 =	srdreg.scid  }
0x8b: {  	s0 =	sand.u32 $0x1, s1  }
0x8c: {  	s17 =	sshll.u32 s0, $0xA;
	s2 =	sadd.s32 s3, s2  }
0x8d: {  	s2 =	sadd.s32 s2, s17  }
0x8e: {  	[smem:$0x3FC3] =	sst s2  }
0x8f: {  	_ = 	snop  }
0x90: {  	s2 =	sld [smem:$0x3FD0];
	(tm) =	ssettm $0x1  }
0x91: {  	s18 =	sld [smem:$0x3FFB];
	_ =	sdelay $0x3  }
0x92: {  	_ =	strace s18  }
0x93: {  	s3 =	sld [smem:$0x3FFC];
	_ =	sdelay $0x3  }
0x94: {  	_ =	strace s3  }
0x95: {  	s3 =	sld [smem:$0x3FFD];
	_ =	sdelay $0x3  }
0x96: {  	_ =	strace s3  }
0x97: {  	_ =	strace $0x8FFFFFFF  }
0x98: {  	s19 =	sld [smem:$0x3FDB];
	_ =	sdelay $0x1  }
0x99: {  	s4 =	simm.s32 $_scs_section_size  }
0x9a: {  	s5 =	simm.s32 $_size__tile_overlayer_lowered;
	s6 =	simm.s32 $_tile_overlayer_lowered  }
0x9b: {  	s22 =	simm.s32 $0x1BFF;
	s21 =	sshll.u32 s6, $0x1;
	s3 =	sadd.s32 s4, s19  }
0x9c: {  	s7 =	simm.s32 $0x0;
	s20 =	sshll.u32 s5, $0x1;
	s5 =	sadd.s32 s21, s3  }
0x9d: {  	[timem:s7], [sflag:s22] =	dma.local [hbm:s5], s20  }
0x9e: {  	_ =	swait.ge [sflag:s22], s20  }
0x9f: {  	s4 =	ssub.s32 $0x0, s20;
	[sflag:s22] =	ssyncset.done $0x0  }
0xa0: {  	[sflag:s22] =	ssyncadd.s32 s4;
	_ =	sdelay $0x1  }
0xa1: {  	s23 =	simm.s32 $0x1B8B  }
0xa2: {  	_ =	swait.ge [sflag:s23], $0x1  }
0xa3: {  	[sflag:s23] =	ssyncset.done $0x0  }
0xa4: {  	s25 =	simm.s32 $0x1B8E;
	s24 =	sld [smem:$0x3FFE];
	[sflag:s23] =	ssyncadd.s32 $0xFFFFFFFF  }
0xa5: {  	s26 =	simm.s32 $execute0_lowered;
	[smem:$0x3FD2] =	sst s25  }
0xa6: {  	s5 =	sshll.u32 s26, $0x1;
	_ =	strace $0x80000046;
	[dreg:$0x1] =	wrdreg $0xFFFFFFFF  }
0xa7: {  	s28 =	simm.s32 $_size_execute0_lowered;
	s3 =	sadd.s32 s3, s5;
	[dreg:$0x0] =	wrdreg $0x0  }
0xa8: {  	s5 =	sshll.u32 s28, $0x1;
	[dreg:$0x2] =	wrdreg s3  }
0xa9: {  	[dreg:$0x3] =	wrdreg s5  }
0xaa: {  	[dreg:$0x4] =	wrdreg $0xC0  }
0xab: {  	_ =	task [dreg:s7], $0x5FFFF  }
0xac: {  	[dreg:$0x1] =	wrdreg $0xFFFFFFFF  }
0xad: {  	[dreg:$0x0] =	wrdreg $0x60  }
0xae: {  	[dreg:$0x2] =	wrdreg s2  }
0xaf: {  	[dreg:$0x3] =	wrdreg s24  }
0xb0: {  	[dreg:$0x4] =	wrdreg $0x2B000  }
0xb1: {  	[dreg:$0x5] =	wrdreg $0x9  }
0xb2: {  	_ =	task.clear_ibuf [dreg:s7], $0x6FFFF;
	_ =	strace $0x90000046  }
0xb3: {  	s29 =	simm.s32 $0x9;
	_ =	strace $0x80000048  }
0xb4: {  	_ =	swait.ge [sflag:s29], $0x1  }
0xb5: {  	[sflag:s29] =	ssyncadd.s32 $0xFFFFFFFF  }
0xb6: {  	_ =	strace $0x90000048  }
0xb7: {  	_ =	sfence  }
0xb8: {  	s30 =	sld [smem:$0x0];
	_ =	sdelay $0x2  }
0xb9: {  	s31 =	sshll.u32 s1, $0xD;
	s1 =	sshrl.u32 s1, $0x2  }
0xba: {  	s3 =	sand.u32 $0x4000, s31;
	s1 =	sadd.s32 s1, s30  }
0xbb: {  	s0 =	sor.u32 s3, s0;
	s1 =	sshll.u32 s1, $0x11  }
0xbc: {  	s0 =	sor.u32 s1, s0  }
0xbd: {  	s0 =	sadd.s32 $0x8F2B, s0  }
0xbe: {  	[sflag:s0] =	ssyncadd.remote.s32 $0x1  }
0xbf: {  	_ =	sfence.sel $0xFFFF  }
0xc0: {  	[dreg:$0x0] =	wrdreg $0xFFFFFFFF;
	(pc) =	sbr.abs _section_cstart, $3  }
0xc1: {  	[dreg:$0x1] =	wrdreg $0xFFFFFFFF  }
0xc2: {  	_ =	task.clear_ibuf [dreg:s7], $0x2FFFF;
	_ =	strace $0x9FFFFFFF  }
0xc3: {  	(tm) =	ssettm $0x7FFFFFFF  }
tec
execute0_lowered:
.L_overlay_start_1:
0x0: {  	(tag) =	ssettag $0x1  }
0x1: {  	s5 =	rddreg [dreg:$0x0]  }
0x2: {  	s4 =	rddreg [dreg:$0x1]  }
0x3: {  	s2 =	rddreg [dreg:$0x2]  }
0x4: {  	s0 =	rddreg [dreg:$0x3];
	s6 =	srdreg.scid  }
0x5: {  	s1 =	stileid.u32;
	s3 =	simm.s32 $0x0;
	s11 =	simm.s32 $0x2800  }
0x6: {  	s12 =	simm.s32 $0x1;
	s15 =	simm.s32 $0x20;
	s16 =	simm.s32 $0x10  }
0x7: {  	s17 =	simm.s32 $0x0;
	s6 =	sand.u32 $0x1, s6;
	s7 =	smul.u32 $0x500, s1  }
0x8: {  	[smem:$0x7FF] =	sst s3;
	s29 =	sshll.u32 s1, $0x1;
	s10 =	smul.u32 $0xA00, s1  }
0x9: {  	s13 =	sshll.u32 s1, $0x6;
	s8 =	sshll.u32 s6, $0x7;
	_ =	strace $0x80000047  }
0xa: {  	s9 =	ssub.s32 $0x2, s6;
	s6 =	sor.u32 s6, s29;
	s13 =	sor.u32 $0x1C02, s13  }
0xb: {  	s7 =	sor.u32 s8, s7;
	s30 =	sshrl.u32 s9, $0x1;
	s6 =	smul.u32 $0x500, s6  }
0xc: {  	s31 =	sshrl.u32 s10, $0x2;
	s10 =	simm.s32 $0x80;
	s7 =	sshrl.u32 s7, $0x3  }
0xd: {  	s8 =	ssub.s32 s9, s30;
	s9 =	simm.s32 $0x2;
	s7 =	sadd.s32 s7, s4  }
0xe: {  	s4 =	sadd.s32 s31, s2;
	s5 =	sadd.s32 s5, s6;
	s6 =	sadd.s32 $0xC600, s7  }
0xf: {  	v0 =	vimm.f32 $1.000000000e+00;
	v1 =	vimm.f32 $0.0e+00;
	s7 =	smax.u32 s8, $0x1;
	s8 =	simm.s32 $0x2880;
	s14 =	sshrl.u32 s4, $0x3  }
.LBB2_1:
0x10: {  	[tilespmem:$0x2800] =	vst v0  }
0x11: {  	[tilespmem:$0x2810] =	vst v0  }
0x12: {  	[tilespmem:$0x2820] =	vst v0  }
0x13: {  	[tilespmem:$0x2830] =	vst v0  }
0x14: {  	[tilespmem:$0x2840] =	vst v0  }
0x15: {  	[tilespmem:$0x2850] =	vst v0  }
0x16: {  	[tilespmem:$0x2860] =	vst v0  }
0x17: {  	[tilespmem:$0x2870] =	vst v0  }
0x18: {  	[tilespmem:$0x2880] =	vst v1  }
0x19: {  	[tilespmem:$0x2890] =	vst v1  }
0x1a: {  	[tilespmem:$0x28A0] =	vst v1  }
0x1b: {  	[tilespmem:$0x28B0] =	vst v1  }
0x1c: {  	[tilespmem:$0x28C0] =	vst v1  }
0x1d: {  	[tilespmem:$0x28D0] =	vst v1  }
0x1e: {  	[tilespmem:$0x28E0] =	vst v1  }
0x1f: {  	[tilespmem:$0x28F0] =	vst v1  }
0x20: {  	[tilespmem:$0x2900] =	vst v1  }
0x21: {  	[tilespmem:$0x2910] =	vst v1  }
0x22: {  	[tilespmem:$0x2920] =	vst v1  }
0x23: {  	[tilespmem:$0x2930] =	vst v1  }
0x24: {  	[tilespmem:$0x2940] =	vst v1  }
0x25: {  	[tilespmem:$0x2950] =	vst v1  }
0x26: {  	[tilespmem:$0x2960] =	vst v1  }
0x27: {  	[tilespmem:$0x2970] =	vst v1  }
0x28: {  	[tilespmem:$0x2980] =	vst v1  }
0x29: {  	[tilespmem:$0x2990] =	vst v1  }
0x2a: {  	[tilespmem:$0x29A0] =	vst v1  }
0x2b: {  	[tilespmem:$0x29B0] =	vst v1  }
0x2c: {  	[tilespmem:$0x29C0] =	vst v1  }
0x2d: {  	[tilespmem:$0x29D0] =	vst v1  }
0x2e: {  	[tilespmem:$0x29E0] =	vst v1  }
0x2f: {  	[tilespmem:$0x29F0] =	vst v1  }
0x30: {  	[tilespmem:$0x2A00] =	vst v1  }
0x31: {  	[tilespmem:$0x2A10] =	vst v1  }
0x32: {  	[tilespmem:$0x2A20] =	vst v1  }
0x33: {  	[tilespmem:$0x2A30] =	vst v1  }
0x34: {  	[tilespmem:$0x2A40] =	vst v1  }
0x35: {  	[tilespmem:$0x2A50] =	vst v1  }
0x36: {  	[tilespmem:$0x2A60] =	vst v1  }
0x37: {  	[tilespmem:$0x2A70] =	vst v1  }
0x38: {  	[tilespmem:$0x2A80] =	vst v1  }
0x39: {  	[tilespmem:$0x2A90] =	vst v1  }
0x3a: {  	[tilespmem:$0x2AA0] =	vst v1  }
0x3b: {  	[tilespmem:$0x2AB0] =	vst v1  }
0x3c: {  	[tilespmem:$0x2AC0] =	vst v1  }
0x3d: {  	[tilespmem:$0x2AD0] =	vst v1  }
0x3e: {  	[tilespmem:$0x2AE0] =	vst v1  }
0x3f: {  	[tilespmem:$0x2AF0] =	vst v1  }
0x40: {  	[spmem:s4] =	stream.linear.scatter [tilespmem:s8], [sflag:$0x2], $0x280, $0x38;
	[tilespmem:$0x2D80] =	vst v63  }
0x41: {  	_ =	swait.ge [sflag:s9], $0x280  }
0x42: {  	[sflag:s9] =	ssyncset.done $0x0  }
0x43: {  	[sflag:s9] =	ssyncadd.s32 $0xFFFFFD80  }
0x44: {  	[tilespmem:s3], [sflag:$0x2] =	stream.linear.gather [hbm4b:s5+s3], $0x2800, $0x38;
	[tilespmem:$0x2D80] =	vst v63  }
0x45: {  	_ =	swait.ge [sflag:s9], $0x2800  }
0x46: {  	[sflag:s9] =	ssyncset.done $0x0  }
0x47: {  	[sflag:s9] =	ssyncadd.s32 $0xFFFFD800  }
0x48: {  	s18 =	simm.s32 $0x0;
	[bflag:$0x0] =	sbarrier.arrive $0xFFFF  }
.LBB2_2:
0x49: {  	p0 =	sne.s32 s18, $0x9E00  }
.Ltmp0:
0x4a: {  	_ = 	snop;
	(pc) =	sbr.rel @p0 .LBB2_2-.Ltmp0, $3  }
0x4b: {  	_ =	sdelay $0x1  }
0x4c: {  	s19 =	sshra.s32 s18, $0x2;
	s18 =	sadd.s32 $0x200, s18  }
0x4d: {  	[spmem:s2] =	stream.indirect.scatter.add.f32 [tilespmem:s11], [sflag:$0x1], $0x1, s19, s10, $0xb8;
	[tilespmem:$0x2D80] =	vst v63  }
0x4e: {  	_ =	swait.ge [sflag:s12], $0x80  }
0x4f: {  	s18 =	simm.s32 $0x4F;
	[sflag:s12] =	ssyncset.done $0x0  }
.LBB2_4:
0x50: {  	p0 =	sne.s32 s18, $0x1;
	s18 =	sadd.s32 $0xFFFFFFFF, s18;
	[sflag:s12] =	ssyncadd.s32 $0xFFFFFF80  }
.Ltmp1:
0x51: {  	(pc) =	sbr.rel @p0 .LBB2_4-.Ltmp1, $3  }
0x52: {  	_ =	sdelay $0x1  }
0x53: {  	_ =	swait.ge [sflag:s12], $0x80  }
0x54: {  	[sflag:s12] =	ssyncset.done $0x0  }
0x55: {  	s17 =	sadd.s32 $0x1, s17  }
0x56: {  	[sflag:s12] =	ssyncadd.s32 $0xFFFFFF80;
	p0 =	sne.s32 s17, s7  }
.Ltmp2:
0x57: {  	[bflag:$0x0] =	sbarrier.arrive $0xFFFF;
	(pc) =	sbr.rel @p0 .LBB2_1-.Ltmp2, $4  }
0x58: {  	[hbm:s6@s15], [sflag:s13] =	dma.strided [spmem:s14@s16], $0x50, s12, $0x10   }
0x59: {  	_ =	swait.ge [sflag:s9], $0x50  }
0x5a: {  	[sflag:s9] =	ssyncset.done $0x0  }
0x5b: {  	[sflag:s9] =	ssyncadd.s32 $0xFFFFFFB0  }
0x5c: {  	_ =	sfence.sel $0x180000  }
0x5d: {  	[bflag:$0x0] =	sbarrier.arrive $0xFFFF  }
0x5e: {  	p0 =	sne.s32 s1, $0x0;
	_ =	strace $0x90000047  }
0x5f: {  	s0 =	sadd.s32 @!p0 $0x100000, s0;
	[bflag:$0x2] =	sbarrier.arrive $0xFFFF  }
0x60: {  	[sflag:s0] =	ssyncadd.tile.s32 @!p0 $0x1;
	_ =	shalt  }
.Lfunc_end2:
_tile_overlayer_lowered:
.L_overlay_start_2:
0x61: {  	(tag) =	ssettag $0x2  }
0x62: {  	s0 =	rddreg [dreg:$0x0];
	s2 =	stileid.u32  }
0x63: {  	s1 =	rddreg [dreg:$0x1];
	p0 =	sne.s32 s2, $0x0  }
0x64: {  	s3 =	rddreg [dreg:$0x2];
	[bflag:$0x3] =	sbarrier.arrive $0xFFFF;
	s2 =	simm.s32 @!p0 $0x1C02  }
0x65: {  	[timem:s3], [sflag:s2] =	dma.local @!p0 [hbm:s0], s1  }
0x66: {  	s0 =	simm.s32 @!p0 $0x2  }
0x67: {  	_ =	swait.ge @!p0 [sflag:s0], s1  }
0x68: {  	s1 =	ssub.s32 @!p0 $0x0, s1;
	[sflag:s0] =	ssyncset.done @!p0 $0x0  }
0x69: {  	[sflag:s0] =	ssyncadd.s32 @!p0 s1  }
0x6a: {  	[bflag:$0x3] =	sbarrier.arrive $0xFFFF  }
0x6b: {  	_ =	shalt  }

</sc_bundles>
